<compile_context>
chip_gen: v7x
topology: tpu7x:2x2x1
jax: 0.10.2.dev20260603
libtpu: 0.0.44.dev20260713+nightly
codegen_flags: <defaults>
</compile_context>

<pallas_src>
import functools

import jax
import jax.numpy as jnp
from jax import lax
from jax.experimental import pallas as pl
from jax.experimental.pallas import tpu as pltpu
from jax.experimental.pallas import tpu_sc as plsc

N = 10000
E = 320000
D_IN = 128
D_OUT = 7

NC = 2
NS = 16
NW = NC * NS
CPW = D_IN // NW
EBLK = 8000
NEG = -3.0e38


def _sc_segment_max_kernel(xt_hbm, src_hbm, dst_hbm, aggt_hbm, *scratch):
    xcols = scratch[0:CPW]
    aggs = scratch[CPW:2 * CPW]
    srcb0, dstb0, srcb1, dstb1, rsrc, rdst = scratch[2 * CPW:2 * CPW + 6]
    sems = scratch[2 * CPW + 6]
    wid = lax.axis_index("s") * NC + lax.axis_index("c")
    for k in range(CPW):
        pltpu.sync_copy(xt_hbm.at[pl.ds((wid * CPW + k) * N, N)], xcols[k])

    ninf = jnp.full((16,), NEG, jnp.float32)
    lanes = lax.iota(jnp.int32, 16)

    def init_body(i, _):
        for k in range(CPW):
            aggs[k][pl.ds(i * 16, 16)] = ninf
        return 0

    lax.fori_loop(0, N // 16, init_body, 0)

    NB = E // EBLK

    def fetch(b, srcb, dstb, sp):
        pltpu.async_copy(src_hbm.at[pl.ds(b * EBLK, EBLK)], srcb, sems.at[sp])
        pltpu.async_copy(dst_hbm.at[pl.ds(b * EBLK, EBLK)], dstb,
                         sems.at[sp + 1])

    def wait(b, srcb, dstb, sp):
        pltpu.make_async_copy(src_hbm.at[pl.ds(b * EBLK, EBLK)], srcb,
                              sems.at[sp]).wait()
        pltpu.make_async_copy(dst_hbm.at[pl.ds(b * EBLK, EBLK)], dstb,
                              sems.at[sp + 1]).wait()

    UNR = 4
    NCH = EBLK // (16 * UNR)

    def process(srcb, dstb):
        def load_idx(i):
            svs = [srcb[pl.ds((UNR * i + u) * 16, 16)] for u in range(UNR)]
            dvs = [dstb[pl.ds((UNR * i + u) * 16, 16)] for u in range(UNR)]
            return svs, dvs

        def chunk(i, carry):
            offv, svs, dvs = carry
            scans = [plsc.scan_count(dvs[u]) for u in range(UNR)]
            nsvs, ndvs = load_idx(jnp.minimum(i + 1, NCH - 1))
            vals = [[plsc.load_gather(xcols[k], [svs[u]])
                     for k in range(CPW)] for u in range(UNR)]
            for u in range(UNR):
                sv, dv = svs[u], dvs[u]
                cnt, last = scans[u]
                conf = (cnt != 1) | jnp.logical_not(last)
                curs = [plsc.load_gather(aggs[k], [dv]) for k in range(CPW)]
                for k in range(CPW):
                    plsc.store_scatter(aggs[k], [dv],
                                       jnp.maximum(vals[u][k], curs[k]))
                ranks = plsc.cumsum(conf.astype(jnp.int32))
                pos = offv + ranks - 1
                plsc.store_scatter(rsrc, [pos], sv, mask=conf)
                plsc.store_scatter(rdst, [pos], dv, mask=conf)
                offv = offv + plsc.all_reduce_population_count(conf)
            return offv, nsvs, ndvs

        offv, _, _ = lax.fori_loop(
            0, NCH, chunk,
            (jnp.zeros((16,), jnp.int32),) + load_idx(0))

        cnt = jnp.max(offv)

        def retry_chunk(j, _):
            valid = (j * 16 + lanes) < offv
            sv = jnp.where(valid, rsrc[pl.ds(j * 16, 16)], 0)
            dv = jnp.where(valid, rdst[pl.ds(j * 16, 16)], 0)
            for k in range(CPW):
                val = plsc.load_gather(xcols[k], [sv])
                cur = plsc.load_gather(aggs[k], [dv])
                m = jnp.where(valid, jnp.maximum(val, cur), NEG)
                plsc.store_scatter(aggs[k], [dv], m, mask=valid)

                def fix_cond(chk):
                    return jnp.any(chk < m)

                def fix_body(chk):
                    plsc.store_scatter(aggs[k], [dv], m, mask=chk < m)
                    return plsc.load_gather(aggs[k], [dv])

                lax.while_loop(fix_cond, fix_body,
                               plsc.load_gather(aggs[k], [dv]))
            return 0

        lax.fori_loop(0, (cnt + 15) // 16, retry_chunk, 0)

    fetch(0, srcb0, dstb0, 0)

    def block_pair(i, _):
        b0 = 2 * i
        b1 = b0 + 1
        fetch(b1, srcb1, dstb1, 2)
        wait(b0, srcb0, dstb0, 0)
        process(srcb0, dstb0)
        fetch(jnp.minimum(b0 + 2, NB - 1), srcb0, dstb0, 0)
        wait(b1, srcb1, dstb1, 2)
        process(srcb1, dstb1)
        return 0

    lax.fori_loop(0, NB // 2, block_pair, 0)
    wait(NB - 1, srcb0, dstb0, 0)
    for k in range(CPW):
        pltpu.sync_copy(aggs[k], aggt_hbm.at[pl.ds((wid * CPW + k) * N, N)])


@functools.partial(jax.jit, static_argnames=())
def _sc_segment_max(xt_flat, src, dst):
    mesh = plsc.VectorSubcoreMesh(core_axis_name="c", subcore_axis_name="s",
                                  num_cores=NC, num_subcores=NS)
    return pl.kernel(
        _sc_segment_max_kernel,
        out_type=jax.ShapeDtypeStruct((D_IN * N,), jnp.float32),
        mesh=mesh,
        compiler_params=pltpu.CompilerParams(needs_layout_passes=False),
        scratch_types=(
            [pltpu.VMEM((N,), jnp.float32) for _ in range(2 * CPW)]
            + [pltpu.VMEM((EBLK,), jnp.int32) for _ in range(6)]
            + [pltpu.SemaphoreType.DMA((4,))]
        ),
    )(xt_flat, src, dst)


def _epilogue_kernel(aggt_ref, xt_ref, wl_ref, wr_ref, b_ref, out_ref):
    aggt = aggt_ref[...]
    aggt = jnp.where(aggt <= NEG, 0.0, aggt)
    outt = (
        lax.dot_general(wl_ref[...], aggt, (((0,), (0,)), ((), ())))
        + lax.dot_general(wr_ref[...], xt_ref[...], (((0,), (0,)), ((), ())))
        + b_ref[...]
    )
    s = outt - jnp.max(outt, axis=0, keepdims=True)
    out_ref[...] = s - jnp.log(jnp.sum(jnp.exp(s), axis=0, keepdims=True))


def _epilogue(aggt, xt, W_l, W_r, b):
    return pl.pallas_call(
        _epilogue_kernel,
        out_shape=jax.ShapeDtypeStruct((D_OUT, N), jnp.float32),
    )(aggt, xt, W_l, W_r, b)


def kernel(x, edge_index, W_l, W_r, b):
    src = edge_index[0].astype(jnp.int32)
    dst = edge_index[1].astype(jnp.int32)
    xt = x.T
    aggt = _sc_segment_max(xt.reshape(-1), src, dst).reshape(D_IN, N)
    outt = _epilogue(aggt, xt, W_l, W_r, b.reshape(D_OUT, 1))
    return outt.T

# --- scband reference (transcript-rebuilt; emitter-appended) ---
"""Pipeline reference for scband-net-65867618451923 (READ-ONLY COPY).

The authoritative reference and input builder live on the scoring server;
editing this copy changes nothing except your own understanding.
"""

import jax, jax.numpy as jnp
import numpy as np

N = 10000
E = 320000
D_IN = 128
D_OUT = 7


def setup_inputs(seed: int = 0) -> dict:
    key = jax.random.key(seed)
    k1, k2, k3, k4, k5 = jax.random.split(key, 5)
    x = jax.random.normal(k1, (N, D_IN), dtype=jnp.float32)
    edge_index = jax.random.randint(k2, (2, E), 0, N, dtype=jnp.int64)
    scale = 1.0 / np.sqrt(D_IN)
    W_l = jax.random.normal(k3, (D_IN, D_OUT), dtype=jnp.float32) * scale
    W_r = jax.random.normal(k4, (D_IN, D_OUT), dtype=jnp.float32) * scale
    b = jax.random.normal(k5, (D_OUT,), dtype=jnp.float32) * 0.01
    return {"x": x, "edge_index": edge_index, "W_l": W_l, "W_r": W_r, "b": b}


def reference(x, edge_index, W_l, W_r, b):
    # SAGEConv(aggr='max'): out_i = lin_l( max_{j in N(i)} x_j ) + lin_r(x_i) + bias
    src = edge_index[0]
    dst = edge_index[1]
    msgs = jnp.take(x, src, axis=0)              # gather messages [E, D_IN]
    agg = jax.ops.segment_max(msgs, dst, num_segments=N)  # scatter-max reduce [N, D_IN]
    # nodes with no incoming edges get -inf from segment_max; PyG fills with 0
    agg = jnp.where(jnp.isneginf(agg), 0.0, agg)
    out = agg @ W_l + x @ W_r + b               # [N, D_OUT]
    return jax.nn.log_softmax(out, axis=1)

if __name__ == "__main__":
    import jax
    _d = setup_inputs()
    print(jax.jit(kernel)(*tuple(_d.values())))

</pallas_src>

<mosaic_0001>
#map = affine_map<(d0, d1) -> (0)>
module attributes {stable_mosaic.version = 14 : i64} {
  func.func @_sc_segment_max_kernel(%arg0: i32, %arg1: i32, %arg2: memref<1280000xf32, #tpu.memory_space<hbm>>, %arg3: memref<320000xi32, #tpu.memory_space<hbm>>, %arg4: memref<320000xi32, #tpu.memory_space<hbm>>, %arg5: memref<1280000xf32, #tpu.memory_space<hbm>>, %arg6: memref<10000xf32, #tpu.memory_space<vmem>>, %arg7: memref<10000xf32, #tpu.memory_space<vmem>>, %arg8: memref<10000xf32, #tpu.memory_space<vmem>>, %arg9: memref<10000xf32, #tpu.memory_space<vmem>>, %arg10: memref<10000xf32, #tpu.memory_space<vmem>>, %arg11: memref<10000xf32, #tpu.memory_space<vmem>>, %arg12: memref<10000xf32, #tpu.memory_space<vmem>>, %arg13: memref<10000xf32, #tpu.memory_space<vmem>>, %arg14: memref<8000xi32, #tpu.memory_space<vmem>>, %arg15: memref<8000xi32, #tpu.memory_space<vmem>>, %arg16: memref<8000xi32, #tpu.memory_space<vmem>>, %arg17: memref<8000xi32, #tpu.memory_space<vmem>>, %arg18: memref<8000xi32, #tpu.memory_space<vmem>>, %arg19: memref<8000xi32, #tpu.memory_space<vmem>>, %arg20: memref<4x!tpu.dma_semaphore, #tpu.memory_space<semaphore_mem>>) attributes {dimension_semantics = [#tpu.dimension_semantics<core_parallel>, #tpu.dimension_semantics<subcore_parallel>], iteration_bounds = array<i64: 2, 16>, scalar_prefetch = 0 : i64, scratch_operands = 15 : i64, tpu.core_type = #tpu.core_type<sc_vector_subcore>, window_params = [{transform_indices = #map}, {transform_indices = #map}, {transform_indices = #map}, {transform_indices = #map}]} {
    %mul3A = arith.constant 2 : i32
    %mul3A_0 = arith.muli %arg1, %mul3A : i32
    %add3A = arith.addi %mul3A_0, %arg0 : i32
    %mul3A_1 = arith.constant 4 : i32
    %mul3A_2 = arith.muli %add3A, %mul3A_1 : i32
    %add3A_3 = arith.constant 0 : i32
    %add3A_4 = arith.addi %mul3A_2, %add3A_3 : i32
    %mul3A_5 = arith.constant 10000 : i32
    %mul3A_6 = arith.muli %add3A_4, %mul3A_5 : i32
    "tpu.region"() ({
      %run_scoped3A = tpu.sem_alloc : memref<!tpu.dma_semaphore, #tpu.memory_space<semaphore_mem>>
      %dma_start3A_89 = tpu.memref_slice %arg2[%mul3A_6] : memref<1280000xf32, #tpu.memory_space<hbm>> -> memref<10000xf32, #tpu.memory_space<hbm>>
      %dma_start3A_90 = tpu.memref_slice %arg2[%mul3A_6] : memref<1280000xf32, #tpu.memory_space<hbm>> -> memref<10000xf32, #tpu.memory_space<hbm>>
      tpu.enqueue_dma source(%dma_start3A_90 : memref<10000xf32, #tpu.memory_space<hbm>>) target(%arg6 : memref<10000xf32, #tpu.memory_space<vmem>>) target_semaphore(%run_scoped3A : memref<!tpu.dma_semaphore, #tpu.memory_space<semaphore_mem>>)
      %dma_wait3A_91 = tpu.memref_slice %arg2[%mul3A_6] : memref<1280000xf32, #tpu.memory_space<hbm>> -> memref<10000xf32, #tpu.memory_space<hbm>>
      %dma_wait3A_92 = tpu.memref_slice %arg2[%mul3A_6] : memref<1280000xf32, #tpu.memory_space<hbm>> -> memref<10000xf32, #tpu.memory_space<hbm>>
      tpu.wait_dma2 semaphore(%run_scoped3A : memref<!tpu.dma_semaphore, #tpu.memory_space<semaphore_mem>>) src(%dma_wait3A_92 : memref<10000xf32, #tpu.memory_space<hbm>>) dst(%arg6 : memref<10000xf32, #tpu.memory_space<vmem>>)
      tpu.yield
    }) : () -> ()
    %mul3A_7 = arith.constant 4 : i32
    %mul3A_8 = arith.muli %add3A, %mul3A_7 : i32
    %add3A_9 = arith.constant 1 : i32
    %add3A_10 = arith.addi %mul3A_8, %add3A_9 : i32
    %mul3A_11 = arith.constant 10000 : i32
    %mul3A_12 = arith.muli %add3A_10, %mul3A_11 : i32
    "tpu.region"() ({
      %run_scoped3A = tpu.sem_alloc : memref<!tpu.dma_semaphore, #tpu.memory_space<semaphore_mem>>
      %dma_start3A_89 = tpu.memref_slice %arg2[%mul3A_12] : memref<1280000xf32, #tpu.memory_space<hbm>> -> memref<10000xf32, #tpu.memory_space<hbm>>
      %dma_start3A_90 = tpu.memref_slice %arg2[%mul3A_12] : memref<1280000xf32, #tpu.memory_space<hbm>> -> memref<10000xf32, #tpu.memory_space<hbm>>
      tpu.enqueue_dma source(%dma_start3A_90 : memref<10000xf32, #tpu.memory_space<hbm>>) target(%arg7 : memref<10000xf32, #tpu.memory_space<vmem>>) target_semaphore(%run_scoped3A : memref<!tpu.dma_semaphore, #tpu.memory_space<semaphore_mem>>)
      %dma_wait3A_91 = tpu.memref_slice %arg2[%mul3A_12] : memref<1280000xf32, #tpu.memory_space<hbm>> -> memref<10000xf32, #tpu.memory_space<hbm>>
      %dma_wait3A_92 = tpu.memref_slice %arg2[%mul3A_12] : memref<1280000xf32, #tpu.memory_space<hbm>> -> memref<10000xf32, #tpu.memory_space<hbm>>
      tpu.wait_dma2 semaphore(%run_scoped3A : memref<!tpu.dma_semaphore, #tpu.memory_space<semaphore_mem>>) src(%dma_wait3A_92 : memref<10000xf32, #tpu.memory_space<hbm>>) dst(%arg7 : memref<10000xf32, #tpu.memory_space<vmem>>)
      tpu.yield
    }) : () -> ()
    %mul3A_13 = arith.constant 4 : i32
    %mul3A_14 = arith.muli %add3A, %mul3A_13 : i32
    %add3A_15 = arith.constant 2 : i32
    %add3A_16 = arith.addi %mul3A_14, %add3A_15 : i32
    %mul3A_17 = arith.constant 10000 : i32
    %mul3A_18 = arith.muli %add3A_16, %mul3A_17 : i32
    "tpu.region"() ({
      %run_scoped3A = tpu.sem_alloc : memref<!tpu.dma_semaphore, #tpu.memory_space<semaphore_mem>>
      %dma_start3A_89 = tpu.memref_slice %arg2[%mul3A_18] : memref<1280000xf32, #tpu.memory_space<hbm>> -> memref<10000xf32, #tpu.memory_space<hbm>>
      %dma_start3A_90 = tpu.memref_slice %arg2[%mul3A_18] : memref<1280000xf32, #tpu.memory_space<hbm>> -> memref<10000xf32, #tpu.memory_space<hbm>>
      tpu.enqueue_dma source(%dma_start3A_90 : memref<10000xf32, #tpu.memory_space<hbm>>) target(%arg8 : memref<10000xf32, #tpu.memory_space<vmem>>) target_semaphore(%run_scoped3A : memref<!tpu.dma_semaphore, #tpu.memory_space<semaphore_mem>>)
      %dma_wait3A_91 = tpu.memref_slice %arg2[%mul3A_18] : memref<1280000xf32, #tpu.memory_space<hbm>> -> memref<10000xf32, #tpu.memory_space<hbm>>
      %dma_wait3A_92 = tpu.memref_slice %arg2[%mul3A_18] : memref<1280000xf32, #tpu.memory_space<hbm>> -> memref<10000xf32, #tpu.memory_space<hbm>>
      tpu.wait_dma2 semaphore(%run_scoped3A : memref<!tpu.dma_semaphore, #tpu.memory_space<semaphore_mem>>) src(%dma_wait3A_92 : memref<10000xf32, #tpu.memory_space<hbm>>) dst(%arg8 : memref<10000xf32, #tpu.memory_space<vmem>>)
      tpu.yield
    }) : () -> ()
    %mul3A_19 = arith.constant 4 : i32
    %mul3A_20 = arith.muli %add3A, %mul3A_19 : i32
    %add3A_21 = arith.constant 3 : i32
    %add3A_22 = arith.addi %mul3A_20, %add3A_21 : i32
    %mul3A_23 = arith.constant 10000 : i32
    %mul3A_24 = arith.muli %add3A_22, %mul3A_23 : i32
    "tpu.region"() ({
      %run_scoped3A = tpu.sem_alloc : memref<!tpu.dma_semaphore, #tpu.memory_space<semaphore_mem>>
      %dma_start3A_89 = tpu.memref_slice %arg2[%mul3A_24] : memref<1280000xf32, #tpu.memory_space<hbm>> -> memref<10000xf32, #tpu.memory_space<hbm>>
      %dma_start3A_90 = tpu.memref_slice %arg2[%mul3A_24] : memref<1280000xf32, #tpu.memory_space<hbm>> -> memref<10000xf32, #tpu.memory_space<hbm>>
      tpu.enqueue_dma source(%dma_start3A_90 : memref<10000xf32, #tpu.memory_space<hbm>>) target(%arg9 : memref<10000xf32, #tpu.memory_space<vmem>>) target_semaphore(%run_scoped3A : memref<!tpu.dma_semaphore, #tpu.memory_space<semaphore_mem>>)
      %dma_wait3A_91 = tpu.memref_slice %arg2[%mul3A_24] : memref<1280000xf32, #tpu.memory_space<hbm>> -> memref<10000xf32, #tpu.memory_space<hbm>>
      %dma_wait3A_92 = tpu.memref_slice %arg2[%mul3A_24] : memref<1280000xf32, #tpu.memory_space<hbm>> -> memref<10000xf32, #tpu.memory_space<hbm>>
      tpu.wait_dma2 semaphore(%run_scoped3A : memref<!tpu.dma_semaphore, #tpu.memory_space<semaphore_mem>>) src(%dma_wait3A_92 : memref<10000xf32, #tpu.memory_space<hbm>>) dst(%arg9 : memref<10000xf32, #tpu.memory_space<vmem>>)
      tpu.yield
    }) : () -> ()
    %broadcast_in_dim3A = arith.constant -3.000000e+38 : f32
    %broadcast_in_dim3A_25 = vector.broadcast %broadcast_in_dim3A : f32 to vector<16xf32>
    %iota3A = tpu.iota {dimensions = array<i32: 0>} : vector<16xi32>
    %scan3A = arith.constant 0 : i32
    %scan3A_26 = arith.constant 0 : i32
    %scan3A_27 = arith.constant 625 : i32
    %scan3A_28 = arith.addi %scan3A_26, %scan3A_27 : i32
    %scan3A_29 = arith.constant 1 : i32
    %scan3A_30 = scf.for %scan3A_89 = %scan3A_26 to %scan3A_28 step %scan3A_29 iter_args(%scan3A_90 = %scan3A) -> (i32)  : i32 {
      %mul3A_91 = arith.constant 16 : i32
      %mul3A_92 = arith.muli %scan3A_89, %mul3A_91 : i32
      %swap3A = arith.index_cast %mul3A_92 : i32 to index
      %swap3A_93 = tpu.vector_load %arg10[%swap3A] {strides = array<i32>} : memref<10000xf32, #tpu.memory_space<vmem>>, vector<16xf32>,
      tpu.vector_store %arg10[%swap3A], %broadcast_in_dim3A_25 {strides = array<i32>} : memref<10000xf32, #tpu.memory_space<vmem>>, vector<16xf32>,
      %mul3A_94 = arith.constant 16 : i32
      %mul3A_95 = arith.muli %scan3A_89, %mul3A_94 : i32
      %swap3A_96 = arith.index_cast %mul3A_95 : i32 to index
      %swap3A_97 = tpu.vector_load %arg11[%swap3A_96] {strides = array<i32>} : memref<10000xf32, #tpu.memory_space<vmem>>, vector<16xf32>,
      tpu.vector_store %arg11[%swap3A_96], %broadcast_in_dim3A_25 {strides = array<i32>} : memref<10000xf32, #tpu.memory_space<vmem>>, vector<16xf32>,
      %mul3A_98 = arith.constant 16 : i32
      %mul3A_99 = arith.muli %scan3A_89, %mul3A_98 : i32
      %swap3A_100 = arith.index_cast %mul3A_99 : i32 to index
      %swap3A_101 = tpu.vector_load %arg12[%swap3A_100] {strides = array<i32>} : memref<10000xf32, #tpu.memory_space<vmem>>, vector<16xf32>,
      tpu.vector_store %arg12[%swap3A_100], %broadcast_in_dim3A_25 {strides = array<i32>} : memref<10000xf32, #tpu.memory_space<vmem>>, vector<16xf32>,
      %mul3A_102 = arith.constant 16 : i32
      %mul3A_103 = arith.muli %scan3A_89, %mul3A_102 : i32
      %swap3A_104 = arith.index_cast %mul3A_103 : i32 to index
      %swap3A_105 = tpu.vector_load %arg13[%swap3A_104] {strides = array<i32>} : memref<10000xf32, #tpu.memory_space<vmem>>, vector<16xf32>,
      tpu.vector_store %arg13[%swap3A_104], %broadcast_in_dim3A_25 {strides = array<i32>} : memref<10000xf32, #tpu.memory_space<vmem>>, vector<16xf32>,
      %scan3A_106 = arith.constant 0 : i32
      scf.yield %scan3A_106 : i32
    }
    %scan3A_31 = arith.constant 625 : i32
    %dma_start3A = arith.constant 0 : i32
    %dma_start3A_32 = arith.constant 0 : i32
    %dma_start3A_33 = tpu.memref_slice %arg3[%dma_start3A_32] : memref<320000xi32, #tpu.memory_space<hbm>> -> memref<8000xi32, #tpu.memory_space<hbm>>
    %dma_start3A_34 = tpu.memref_slice %arg20[%dma_start3A] : memref<4x!tpu.dma_semaphore, #tpu.memory_space<semaphore_mem>> -> memref<1x!tpu.dma_semaphore, #tpu.memory_space<semaphore_mem>>
    %dma_start3A_35 = tpu.memref_squeeze %dma_start3A_34 : memref<1x!tpu.dma_semaphore, #tpu.memory_space<semaphore_mem>> -> memref<!tpu.dma_semaphore, #tpu.memory_space<semaphore_mem>>
    %dma_start3A_36 = arith.constant 0 : i32
    %dma_start3A_37 = tpu.memref_slice %arg3[%dma_start3A_36] : memref<320000xi32, #tpu.memory_space<hbm>> -> memref<8000xi32, #tpu.memory_space<hbm>>
    tpu.enqueue_dma source(%dma_start3A_37 : memref<8000xi32, #tpu.memory_space<hbm>>) target(%arg14 : memref<8000xi32, #tpu.memory_space<vmem>>) target_semaphore(%dma_start3A_35 : memref<!tpu.dma_semaphore, #tpu.memory_space<semaphore_mem>>)
    %dma_start3A_38 = arith.constant 1 : i32
    %dma_start3A_39 = arith.constant 0 : i32
    %dma_start3A_40 = tpu.memref_slice %arg4[%dma_start3A_39] : memref<320000xi32, #tpu.memory_space<hbm>> -> memref<8000xi32, #tpu.memory_space<hbm>>
    %dma_start3A_41 = tpu.memref_slice %arg20[%dma_start3A_38] : memref<4x!tpu.dma_semaphore, #tpu.memory_space<semaphore_mem>> -> memref<1x!tpu.dma_semaphore, #tpu.memory_space<semaphore_mem>>
    %dma_start3A_42 = tpu.memref_squeeze %dma_start3A_41 : memref<1x!tpu.dma_semaphore, #tpu.memory_space<semaphore_mem>> -> memref<!tpu.dma_semaphore, #tpu.memory_space<semaphore_mem>>
    %dma_start3A_43 = arith.constant 0 : i32
    %dma_start3A_44 = tpu.memref_slice %arg4[%dma_start3A_43] : memref<320000xi32, #tpu.memory_space<hbm>> -> memref<8000xi32, #tpu.memory_space<hbm>>
    tpu.enqueue_dma source(%dma_start3A_44 : memref<8000xi32, #tpu.memory_space<hbm>>) target(%arg15 : memref<8000xi32, #tpu.memory_space<vmem>>) target_semaphore(%dma_start3A_42 : memref<!tpu.dma_semaphore, #tpu.memory_space<semaphore_mem>>)
    %scan3A_45 = arith.constant 0 : i32
    %scan3A_46 = arith.constant 0 : i32
    %scan3A_47 = arith.constant 20 : i32
    %scan3A_48 = arith.addi %scan3A_46, %scan3A_47 : i32
    %scan3A_49 = arith.constant 1 : i32
    %scan3A_50 = scf.for %scan3A_89 = %scan3A_46 to %scan3A_48 step %scan3A_49 iter_args(%scan3A_90 = %scan3A_45) -> (i32)  : i32 {
      %mul3A_91 = arith.constant 2 : i32
      %mul3A_92 = arith.muli %mul3A_91, %scan3A_89 : i32
      %add3A_93 = arith.constant 1 : i32
      %add3A_94 = arith.addi %mul3A_92, %add3A_93 : i32
      %mul3A_95 = arith.constant 8000 : i32
      %mul3A_96 = arith.muli %add3A_94, %mul3A_95 : i32
      %dma_start3A_97 = arith.constant 2 : i32
      %dma_start3A_98 = tpu.memref_slice %arg3[%mul3A_96] : memref<320000xi32, #tpu.memory_space<hbm>> -> memref<8000xi32, #tpu.memory_space<hbm>>
      %dma_start3A_99 = tpu.memref_slice %arg20[%dma_start3A_97] : memref<4x!tpu.dma_semaphore, #tpu.memory_space<semaphore_mem>> -> memref<1x!tpu.dma_semaphore, #tpu.memory_space<semaphore_mem>>
      %dma_start3A_100 = tpu.memref_squeeze %dma_start3A_99 : memref<1x!tpu.dma_semaphore, #tpu.memory_space<semaphore_mem>> -> memref<!tpu.dma_semaphore, #tpu.memory_space<semaphore_mem>>
      %dma_start3A_101 = tpu.memref_slice %arg3[%mul3A_96] : memref<320000xi32, #tpu.memory_space<hbm>> -> memref<8000xi32, #tpu.memory_space<hbm>>
      tpu.enqueue_dma source(%dma_start3A_101 : memref<8000xi32, #tpu.memory_space<hbm>>) target(%arg16 : memref<8000xi32, #tpu.memory_space<vmem>>) target_semaphore(%dma_start3A_100 : memref<!tpu.dma_semaphore, #tpu.memory_space<semaphore_mem>>)
      %mul3A_102 = arith.constant 8000 : i32
      %mul3A_103 = arith.muli %add3A_94, %mul3A_102 : i32
      %dma_start3A_104 = arith.constant 3 : i32
      %dma_start3A_105 = tpu.memref_slice %arg4[%mul3A_103] : memref<320000xi32, #tpu.memory_space<hbm>> -> memref<8000xi32, #tpu.memory_space<hbm>>
      %dma_start3A_106 = tpu.memref_slice %arg20[%dma_start3A_104] : memref<4x!tpu.dma_semaphore, #tpu.memory_space<semaphore_mem>> -> memref<1x!tpu.dma_semaphore, #tpu.memory_space<semaphore_mem>>
      %dma_start3A_107 = tpu.memref_squeeze %dma_start3A_106 : memref<1x!tpu.dma_semaphore, #tpu.memory_space<semaphore_mem>> -> memref<!tpu.dma_semaphore, #tpu.memory_space<semaphore_mem>>
      %dma_start3A_108 = tpu.memref_slice %arg4[%mul3A_103] : memref<320000xi32, #tpu.memory_space<hbm>> -> memref<8000xi32, #tpu.memory_space<hbm>>
      tpu.enqueue_dma source(%dma_start3A_108 : memref<8000xi32, #tpu.memory_space<hbm>>) target(%arg17 : memref<8000xi32, #tpu.memory_space<vmem>>) target_semaphore(%dma_start3A_107 : memref<!tpu.dma_semaphore, #tpu.memory_space<semaphore_mem>>)
      %mul3A_109 = arith.constant 8000 : i32
      %mul3A_110 = arith.muli %mul3A_92, %mul3A_109 : i32
      %dma_wait3A_111 = arith.constant 0 : i32
      %dma_wait3A_112 = tpu.memref_slice %arg3[%mul3A_110] : memref<320000xi32, #tpu.memory_space<hbm>> -> memref<8000xi32, #tpu.memory_space<hbm>>
      %dma_wait3A_113 = tpu.memref_slice %arg20[%dma_wait3A_111] : memref<4x!tpu.dma_semaphore, #tpu.memory_space<semaphore_mem>> -> memref<1x!tpu.dma_semaphore, #tpu.memory_space<semaphore_mem>>
      %dma_wait3A_114 = tpu.memref_squeeze %dma_wait3A_113 : memref<1x!tpu.dma_semaphore, #tpu.memory_space<semaphore_mem>> -> memref<!tpu.dma_semaphore, #tpu.memory_space<semaphore_mem>>
      %dma_wait3A_115 = tpu.memref_slice %arg3[%mul3A_110] : memref<320000xi32, #tpu.memory_space<hbm>> -> memref<8000xi32, #tpu.memory_space<hbm>>
      tpu.wait_dma2 semaphore(%dma_wait3A_114 : memref<!tpu.dma_semaphore, #tpu.memory_space<semaphore_mem>>) src(%dma_wait3A_115 : memref<8000xi32, #tpu.memory_space<hbm>>) dst(%arg14 : memref<8000xi32, #tpu.memory_space<vmem>>)
      %mul3A_116 = arith.constant 8000 : i32
      %mul3A_117 = arith.muli %mul3A_92, %mul3A_116 : i32
      %dma_wait3A_118 = arith.constant 1 : i32
      %dma_wait3A_119 = tpu.memref_slice %arg4[%mul3A_117] : memref<320000xi32, #tpu.memory_space<hbm>> -> memref<8000xi32, #tpu.memory_space<hbm>>
      %dma_wait3A_120 = tpu.memref_slice %arg20[%dma_wait3A_118] : memref<4x!tpu.dma_semaphore, #tpu.memory_space<semaphore_mem>> -> memref<1x!tpu.dma_semaphore, #tpu.memory_space<semaphore_mem>>
      %dma_wait3A_121 = tpu.memref_squeeze %dma_wait3A_120 : memref<1x!tpu.dma_semaphore, #tpu.memory_space<semaphore_mem>> -> memref<!tpu.dma_semaphore, #tpu.memory_space<semaphore_mem>>
      %dma_wait3A_122 = tpu.memref_slice %arg4[%mul3A_117] : memref<320000xi32, #tpu.memory_space<hbm>> -> memref<8000xi32, #tpu.memory_space<hbm>>
      tpu.wait_dma2 semaphore(%dma_wait3A_121 : memref<!tpu.dma_semaphore, #tpu.memory_space<semaphore_mem>>) src(%dma_wait3A_122 : memref<8000xi32, #tpu.memory_space<hbm>>) dst(%arg15 : memref<8000xi32, #tpu.memory_space<vmem>>)
      %broadcast_in_dim3A_123 = arith.constant 0 : i32
      %broadcast_in_dim3A_124 = vector.broadcast %broadcast_in_dim3A_123 : i32 to vector<16xi32>
      %get3A = arith.constant 0 : index
      %get3A_125 = tpu.vector_load %arg14[%get3A] {strides = array<i32>} : memref<8000xi32, #tpu.memory_space<vmem>>, vector<16xi32>,
      %get3A_126 = arith.constant 16 : index
      %get3A_127 = tpu.vector_load %arg14[%get3A_126] {strides = array<i32>} : memref<8000xi32, #tpu.memory_space<vmem>>, vector<16xi32>,
      %get3A_128 = arith.constant 32 : index
      %get3A_129 = tpu.vector_load %arg14[%get3A_128] {strides = array<i32>} : memref<8000xi32, #tpu.memory_space<vmem>>, vector<16xi32>,
      %get3A_130 = arith.constant 48 : index
      %get3A_131 = tpu.vector_load %arg14[%get3A_130] {strides = array<i32>} : memref<8000xi32, #tpu.memory_space<vmem>>, vector<16xi32>,
      %get3A_132 = arith.constant 0 : index
      %get3A_133 = tpu.vector_load %arg15[%get3A_132] {strides = array<i32>} : memref<8000xi32, #tpu.memory_space<vmem>>, vector<16xi32>,
      %get3A_134 = arith.constant 16 : index
      %get3A_135 = tpu.vector_load %arg15[%get3A_134] {strides = array<i32>} : memref<8000xi32, #tpu.memory_space<vmem>>, vector<16xi32>,
      %get3A_136 = arith.constant 32 : index
      %get3A_137 = tpu.vector_load %arg15[%get3A_136] {strides = array<i32>} : memref<8000xi32, #tpu.memory_space<vmem>>, vector<16xi32>,
      %get3A_138 = arith.constant 48 : index
      %get3A_139 = tpu.vector_load %arg15[%get3A_138] {strides = array<i32>} : memref<8000xi32, #tpu.memory_space<vmem>>, vector<16xi32>,
      %scan3A_140 = arith.constant 0 : i32
      %scan3A_141 = arith.constant 125 : i32
      %scan3A_142 = arith.addi %scan3A_140, %scan3A_141 : i32
      %scan3A_143 = arith.constant 1 : i32
      %scan3A_144:9 = scf.for %scan3A_284 = %scan3A_140 to %scan3A_142 step %scan3A_143 iter_args(%scan3A_285 = %broadcast_in_dim3A_124, %scan3A_286 = %get3A_125, %scan3A_287 = %get3A_127, %scan3A_288 = %get3A_129, %scan3A_289 = %get3A_131, %scan3A_290 = %get3A_133, %scan3A_291 = %get3A_135, %scan3A_292 = %get3A_137, %scan3A_293 = %get3A_139) -> (vector<16xi32>, vector<16xi32>, vector<16xi32>, vector<16xi32>, vector<16xi32>, vector<16xi32>, vector<16xi32>, vector<16xi32>, vector<16xi32>)  : i32 {
        %broadcast_in_dim3A_294 = arith.constant true
        %broadcast_in_dim3A_295 = vector.broadcast %broadcast_in_dim3A_294 : i1 to vector<16xi1>
        %unique3A, %unique3A_296 = tpu.scan_count mask(%broadcast_in_dim3A_295 : vector<16xi1>) value(%scan3A_290 : vector<16xi32>) : vector<16xi1>, vector<16xi32>
        %broadcast_in_dim3A_297 = arith.constant true
        %broadcast_in_dim3A_298 = vector.broadcast %broadcast_in_dim3A_297 : i1 to vector<16xi1>
        %unique3A_299, %unique3A_300 = tpu.scan_count mask(%broadcast_in_dim3A_298 : vector<16xi1>) value(%scan3A_291 : vector<16xi32>) : vector<16xi1>, vector<16xi32>
        %broadcast_in_dim3A_301 = arith.constant true
        %broadcast_in_dim3A_302 = vector.broadcast %broadcast_in_dim3A_301 : i1 to vector<16xi1>
        %unique3A_303, %unique3A_304 = tpu.scan_count mask(%broadcast_in_dim3A_302 : vector<16xi1>) value(%scan3A_292 : vector<16xi32>) : vector<16xi1>, vector<16xi32>
        %broadcast_in_dim3A_305 = arith.constant true
        %broadcast_in_dim3A_306 = vector.broadcast %broadcast_in_dim3A_305 : i1 to vector<16xi1>
        %unique3A_307, %unique3A_308 = tpu.scan_count mask(%broadcast_in_dim3A_306 : vector<16xi1>) value(%scan3A_293 : vector<16xi32>) : vector<16xi1>, vector<16xi32>
        %add3A_309 = arith.constant 1 : i32
        %add3A_310 = arith.addi %scan3A_284, %add3A_309 : i32
        %min3A_311 = arith.constant 124 : i32
        %min3A_312 = arith.minsi %add3A_310, %min3A_311 : i32
        %mul3A_313 = arith.constant 4 : i32
        %mul3A_314 = arith.muli %mul3A_313, %min3A_312 : i32
        %add3A_315 = arith.constant 0 : i32
        %add3A_316 = arith.addi %mul3A_314, %add3A_315 : i32
        %mul3A_317 = arith.constant 16 : i32
        %mul3A_318 = arith.muli %add3A_316, %mul3A_317 : i32
        %get3A_319 = arith.index_cast %mul3A_318 : i32 to index
        %get3A_320 = tpu.vector_load %arg14[%get3A_319] {strides = array<i32>} : memref<8000xi32, #tpu.memory_space<vmem>>, vector<16xi32>,
        %mul3A_321 = arith.constant 4 : i32
        %mul3A_322 = arith.muli %mul3A_321, %min3A_312 : i32
        %add3A_323 = arith.constant 1 : i32
        %add3A_324 = arith.addi %mul3A_322, %add3A_323 : i32
        %mul3A_325 = arith.constant 16 : i32
        %mul3A_326 = arith.muli %add3A_324, %mul3A_325 : i32
        %get3A_327 = arith.index_cast %mul3A_326 : i32 to index
        %get3A_328 = tpu.vector_load %arg14[%get3A_327] {strides = array<i32>} : memref<8000xi32, #tpu.memory_space<vmem>>, vector<16xi32>,
        %mul3A_329 = arith.constant 4 : i32
        %mul3A_330 = arith.muli %mul3A_329, %min3A_312 : i32
        %add3A_331 = arith.constant 2 : i32
        %add3A_332 = arith.addi %mul3A_330, %add3A_331 : i32
        %mul3A_333 = arith.constant 16 : i32
        %mul3A_334 = arith.muli %add3A_332, %mul3A_333 : i32
        %get3A_335 = arith.index_cast %mul3A_334 : i32 to index
        %get3A_336 = tpu.vector_load %arg14[%get3A_335] {strides = array<i32>} : memref<8000xi32, #tpu.memory_space<vmem>>, vector<16xi32>,
        %mul3A_337 = arith.constant 4 : i32
        %mul3A_338 = arith.muli %mul3A_337, %min3A_312 : i32
        %add3A_339 = arith.constant 3 : i32
        %add3A_340 = arith.addi %mul3A_338, %add3A_339 : i32
        %mul3A_341 = arith.constant 16 : i32
        %mul3A_342 = arith.muli %add3A_340, %mul3A_341 : i32
        %get3A_343 = arith.index_cast %mul3A_342 : i32 to index
        %get3A_344 = tpu.vector_load %arg14[%get3A_343] {strides = array<i32>} : memref<8000xi32, #tpu.memory_space<vmem>>, vector<16xi32>,
        %mul3A_345 = arith.constant 4 : i32
        %mul3A_346 = arith.muli %mul3A_345, %min3A_312 : i32
        %add3A_347 = arith.constant 0 : i32
        %add3A_348 = arith.addi %mul3A_346, %add3A_347 : i32
        %mul3A_349 = arith.constant 16 : i32
        %mul3A_350 = arith.muli %add3A_348, %mul3A_349 : i32
        %get3A_351 = arith.index_cast %mul3A_350 : i32 to index
        %get3A_352 = tpu.vector_load %arg15[%get3A_351] {strides = array<i32>} : memref<8000xi32, #tpu.memory_space<vmem>>, vector<16xi32>,
        %mul3A_353 = arith.constant 4 : i32
        %mul3A_354 = arith.muli %mul3A_353, %min3A_312 : i32
        %add3A_355 = arith.constant 1 : i32
        %add3A_356 = arith.addi %mul3A_354, %add3A_355 : i32
        %mul3A_357 = arith.constant 16 : i32
        %mul3A_358 = arith.muli %add3A_356, %mul3A_357 : i32
        %get3A_359 = arith.index_cast %mul3A_358 : i32 to index
        %get3A_360 = tpu.vector_load %arg15[%get3A_359] {strides = array<i32>} : memref<8000xi32, #tpu.memory_space<vmem>>, vector<16xi32>,
        %mul3A_361 = arith.constant 4 : i32
        %mul3A_362 = arith.muli %mul3A_361, %min3A_312 : i32
        %add3A_363 = arith.constant 2 : i32
        %add3A_364 = arith.addi %mul3A_362, %add3A_363 : i32
        %mul3A_365 = arith.constant 16 : i32
        %mul3A_366 = arith.muli %add3A_364, %mul3A_365 : i32
        %get3A_367 = arith.index_cast %mul3A_366 : i32 to index
        %get3A_368 = tpu.vector_load %arg15[%get3A_367] {strides = array<i32>} : memref<8000xi32, #tpu.memory_space<vmem>>, vector<16xi32>,
        %mul3A_369 = arith.constant 4 : i32
        %mul3A_370 = arith.muli %mul3A_369, %min3A_312 : i32
        %add3A_371 = arith.constant 3 : i32
        %add3A_372 = arith.addi %mul3A_370, %add3A_371 : i32
        %mul3A_373 = arith.constant 16 : i32
        %mul3A_374 = arith.muli %add3A_372, %mul3A_373 : i32
        %get3A_375 = arith.index_cast %mul3A_374 : i32 to index
        %get3A_376 = tpu.vector_load %arg15[%get3A_375] {strides = array<i32>} : memref<8000xi32, #tpu.memory_space<vmem>>, vector<16xi32>,
        %gather3A = tpu.vector_load_idx %arg6[%scan3A_286] : memref<10000xf32, #tpu.memory_space<vmem>>[vector<16xi32>], vector<16xf32>,
        %gather3A_377 = tpu.vector_load_idx %arg7[%scan3A_286] : memref<10000xf32, #tpu.memory_space<vmem>>[vector<16xi32>], vector<16xf32>,
        %gather3A_378 = tpu.vector_load_idx %arg8[%scan3A_286] : memref<10000xf32, #tpu.memory_space<vmem>>[vector<16xi32>], vector<16xf32>,
        %gather3A_379 = tpu.vector_load_idx %arg9[%scan3A_286] : memref<10000xf32, #tpu.memory_space<vmem>>[vector<16xi32>], vector<16xf32>,
        %gather3A_380 = tpu.vector_load_idx %arg6[%scan3A_287] : memref<10000xf32, #tpu.memory_space<vmem>>[vector<16xi32>], vector<16xf32>,
        %gather3A_381 = tpu.vector_load_idx %arg7[%scan3A_287] : memref<10000xf32, #tpu.memory_space<vmem>>[vector<16xi32>], vector<16xf32>,
        %gather3A_382 = tpu.vector_load_idx %arg8[%scan3A_287] : memref<10000xf32, #tpu.memory_space<vmem>>[vector<16xi32>], vector<16xf32>,
        %gather3A_383 = tpu.vector_load_idx %arg9[%scan3A_287] : memref<10000xf32, #tpu.memory_space<vmem>>[vector<16xi32>], vector<16xf32>,
        %gather3A_384 = tpu.vector_load_idx %arg6[%scan3A_288] : memref<10000xf32, #tpu.memory_space<vmem>>[vector<16xi32>], vector<16xf32>,
        %gather3A_385 = tpu.vector_load_idx %arg7[%scan3A_288] : memref<10000xf32, #tpu.memory_space<vmem>>[vector<16xi32>], vector<16xf32>,
        %gather3A_386 = tpu.vector_load_idx %arg8[%scan3A_288] : memref<10000xf32, #tpu.memory_space<vmem>>[vector<16xi32>], vector<16xf32>,
        %gather3A_387 = tpu.vector_load_idx %arg9[%scan3A_288] : memref<10000xf32, #tpu.memory_space<vmem>>[vector<16xi32>], vector<16xf32>,
        %gather3A_388 = tpu.vector_load_idx %arg6[%scan3A_289] : memref<10000xf32, #tpu.memory_space<vmem>>[vector<16xi32>], vector<16xf32>,
        %gather3A_389 = tpu.vector_load_idx %arg7[%scan3A_289] : memref<10000xf32, #tpu.memory_space<vmem>>[vector<16xi32>], vector<16xf32>,
        %gather3A_390 = tpu.vector_load_idx %arg8[%scan3A_289] : memref<10000xf32, #tpu.memory_space<vmem>>[vector<16xi32>], vector<16xf32>,
        %gather3A_391 = tpu.vector_load_idx %arg9[%scan3A_289] : memref<10000xf32, #tpu.memory_space<vmem>>[vector<16xi32>], vector<16xf32>,
        %ne3A_392 = arith.constant 1 : i32
        %ne3A_393 = vector.broadcast %ne3A_392 : i32 to vector<16xi32>
        %ne3A_394 = arith.cmpi ne, %unique3A_296, %ne3A_393 : vector<16xi32>
        %not3A = arith.constant dense<true> : vector<16xi1>
        %not3A_395 = arith.xori %unique3A, %not3A : vector<16xi1>
        %or3A = arith.ori %ne3A_394, %not3A_395 : vector<16xi1>
        %gather3A_396 = tpu.vector_load_idx %arg10[%scan3A_290] : memref<10000xf32, #tpu.memory_space<vmem>>[vector<16xi32>], vector<16xf32>,
        %gather3A_397 = tpu.vector_load_idx %arg11[%scan3A_290] : memref<10000xf32, #tpu.memory_space<vmem>>[vector<16xi32>], vector<16xf32>,
        %gather3A_398 = tpu.vector_load_idx %arg12[%scan3A_290] : memref<10000xf32, #tpu.memory_space<vmem>>[vector<16xi32>], vector<16xf32>,
        %gather3A_399 = tpu.vector_load_idx %arg13[%scan3A_290] : memref<10000xf32, #tpu.memory_space<vmem>>[vector<16xi32>], vector<16xf32>,
        %max3A = arith.maximumf %gather3A, %gather3A_396 : vector<16xf32>
        tpu.vector_store_idx %arg10[%scan3A_290], %max3A : memref<10000xf32, #tpu.memory_space<vmem>>[vector<16xi32>], vector<16xf32>,
        %max3A_400 = arith.maximumf %gather3A_377, %gather3A_397 : vector<16xf32>
        tpu.vector_store_idx %arg11[%scan3A_290], %max3A_400 : memref<10000xf32, #tpu.memory_space<vmem>>[vector<16xi32>], vector<16xf32>,
        %max3A_401 = arith.maximumf %gather3A_378, %gather3A_398 : vector<16xf32>
        tpu.vector_store_idx %arg12[%scan3A_290], %max3A_401 : memref<10000xf32, #tpu.memory_space<vmem>>[vector<16xi32>], vector<16xf32>,
        %max3A_402 = arith.maximumf %gather3A_379, %gather3A_399 : vector<16xf32>
        tpu.vector_store_idx %arg13[%scan3A_290], %max3A_402 : memref<10000xf32, #tpu.memory_space<vmem>>[vector<16xi32>], vector<16xf32>,
        %convert_element_type3A = arith.extui %or3A : vector<16xi1> to vector<16xi32>
        %broadcast_in_dim3A_403 = arith.constant true
        %broadcast_in_dim3A_404 = vector.broadcast %broadcast_in_dim3A_403 : i1 to vector<16xi1>
        %masked_cumsum3A = tpu.scan <sum>, %convert_element_type3A masked %broadcast_in_dim3A_404 : vector<16xi32>, vector<16xi1> -> vector<16xi32>
        %add3A_405 = arith.addi %scan3A_285, %masked_cumsum3A : vector<16xi32>
        %sub3A_406 = arith.constant 1 : i32
        %sub3A_407 = vector.broadcast %sub3A_406 : i32 to vector<16xi32>
        %sub3A_408 = arith.subi %add3A_405, %sub3A_407 : vector<16xi32>
        tpu.vector_store_idx %arg18[%sub3A_408], %scan3A_286 masked %or3A : memref<8000xi32, #tpu.memory_space<vmem>>[vector<16xi32>], vector<16xi32>, vector<16xi1>
        tpu.vector_store_idx %arg19[%sub3A_408], %scan3A_290 masked %or3A : memref<8000xi32, #tpu.memory_space<vmem>>[vector<16xi32>], vector<16xi32>, vector<16xi1>
        %all_reduce_population_count3A = tpu.all_reduce %or3A {dim = 0 : i64, kind = #tpu.reduction_kind<sum>} : vector<16xi1> -> vector<16xi32>
        %add3A_409 = arith.addi %scan3A_285, %all_reduce_population_count3A : vector<16xi32>
        %ne3A_410 = arith.constant 1 : i32
        %ne3A_411 = vector.broadcast %ne3A_410 : i32 to vector<16xi32>
        %ne3A_412 = arith.cmpi ne, %unique3A_300, %ne3A_411 : vector<16xi32>
        %not3A_413 = arith.constant dense<true> : vector<16xi1>
        %not3A_414 = arith.xori %unique3A_299, %not3A_413 : vector<16xi1>
        %or3A_415 = arith.ori %ne3A_412, %not3A_414 : vector<16xi1>
        %gather3A_416 = tpu.vector_load_idx %arg10[%scan3A_291] : memref<10000xf32, #tpu.memory_space<vmem>>[vector<16xi32>], vector<16xf32>,
        %gather3A_417 = tpu.vector_load_idx %arg11[%scan3A_291] : memref<10000xf32, #tpu.memory_space<vmem>>[vector<16xi32>], vector<16xf32>,
        %gather3A_418 = tpu.vector_load_idx %arg12[%scan3A_291] : memref<10000xf32, #tpu.memory_space<vmem>>[vector<16xi32>], vector<16xf32>,
        %gather3A_419 = tpu.vector_load_idx %arg13[%scan3A_291] : memref<10000xf32, #tpu.memory_space<vmem>>[vector<16xi32>], vector<16xf32>,
        %max3A_420 = arith.maximumf %gather3A_380, %gather3A_416 : vector<16xf32>
        tpu.vector_store_idx %arg10[%scan3A_291], %max3A_420 : memref<10000xf32, #tpu.memory_space<vmem>>[vector<16xi32>], vector<16xf32>,
        %max3A_421 = arith.maximumf %gather3A_381, %gather3A_417 : vector<16xf32>
        tpu.vector_store_idx %arg11[%scan3A_291], %max3A_421 : memref<10000xf32, #tpu.memory_space<vmem>>[vector<16xi32>], vector<16xf32>,
        %max3A_422 = arith.maximumf %gather3A_382, %gather3A_418 : vector<16xf32>
        tpu.vector_store_idx %arg12[%scan3A_291], %max3A_422 : memref<10000xf32, #tpu.memory_space<vmem>>[vector<16xi32>], vector<16xf32>,
        %max3A_423 = arith.maximumf %gather3A_383, %gather3A_419 : vector<16xf32>
        tpu.vector_store_idx %arg13[%scan3A_291], %max3A_423 : memref<10000xf32, #tpu.memory_space<vmem>>[vector<16xi32>], vector<16xf32>,
        %convert_element_type3A_424 = arith.extui %or3A_415 : vector<16xi1> to vector<16xi32>
        %broadcast_in_dim3A_425 = arith.constant true
        %broadcast_in_dim3A_426 = vector.broadcast %broadcast_in_dim3A_425 : i1 to vector<16xi1>
        %masked_cumsum3A_427 = tpu.scan <sum>, %convert_element_type3A_424 masked %broadcast_in_dim3A_426 : vector<16xi32>, vector<16xi1> -> vector<16xi32>
        %add3A_428 = arith.addi %add3A_409, %masked_cumsum3A_427 : vector<16xi32>
        %sub3A_429 = arith.constant 1 : i32
        %sub3A_430 = vector.broadcast %sub3A_429 : i32 to vector<16xi32>
        %sub3A_431 = arith.subi %add3A_428, %sub3A_430 : vector<16xi32>
        tpu.vector_store_idx %arg18[%sub3A_431], %scan3A_287 masked %or3A_415 : memref<8000xi32, #tpu.memory_space<vmem>>[vector<16xi32>], vector<16xi32>, vector<16xi1>
        tpu.vector_store_idx %arg19[%sub3A_431], %scan3A_291 masked %or3A_415 : memref<8000xi32, #tpu.memory_space<vmem>>[vector<16xi32>], vector<16xi32>, vector<16xi1>
        %all_reduce_population_count3A_432 = tpu.all_reduce %or3A_415 {dim = 0 : i64, kind = #tpu.reduction_kind<sum>} : vector<16xi1> -> vector<16xi32>
        %add3A_433 = arith.addi %add3A_409, %all_reduce_population_count3A_432 : vector<16xi32>
        %ne3A_434 = arith.constant 1 : i32
        %ne3A_435 = vector.broadcast %ne3A_434 : i32 to vector<16xi32>
        %ne3A_436 = arith.cmpi ne, %unique3A_304, %ne3A_435 : vector<16xi32>
        %not3A_437 = arith.constant dense<true> : vector<16xi1>
        %not3A_438 = arith.xori %unique3A_303, %not3A_437 : vector<16xi1>
        %or3A_439 = arith.ori %ne3A_436, %not3A_438 : vector<16xi1>
        %gather3A_440 = tpu.vector_load_idx %arg10[%scan3A_292] : memref<10000xf32, #tpu.memory_space<vmem>>[vector<16xi32>], vector<16xf32>,
        %gather3A_441 = tpu.vector_load_idx %arg11[%scan3A_292] : memref<10000xf32, #tpu.memory_space<vmem>>[vector<16xi32>], vector<16xf32>,
        %gather3A_442 = tpu.vector_load_idx %arg12[%scan3A_292] : memref<10000xf32, #tpu.memory_space<vmem>>[vector<16xi32>], vector<16xf32>,
        %gather3A_443 = tpu.vector_load_idx %arg13[%scan3A_292] : memref<10000xf32, #tpu.memory_space<vmem>>[vector<16xi32>], vector<16xf32>,
        %max3A_444 = arith.maximumf %gather3A_384, %gather3A_440 : vector<16xf32>
        tpu.vector_store_idx %arg10[%scan3A_292], %max3A_444 : memref<10000xf32, #tpu.memory_space<vmem>>[vector<16xi32>], vector<16xf32>,
        %max3A_445 = arith.maximumf %gather3A_385, %gather3A_441 : vector<16xf32>
        tpu.vector_store_idx %arg11[%scan3A_292], %max3A_445 : memref<10000xf32, #tpu.memory_space<vmem>>[vector<16xi32>], vector<16xf32>,
        %max3A_446 = arith.maximumf %gather3A_386, %gather3A_442 : vector<16xf32>
        tpu.vector_store_idx %arg12[%scan3A_292], %max3A_446 : memref<10000xf32, #tpu.memory_space<vmem>>[vector<16xi32>], vector<16xf32>,
        %max3A_447 = arith.maximumf %gather3A_387, %gather3A_443 : vector<16xf32>
        tpu.vector_store_idx %arg13[%scan3A_292], %max3A_447 : memref<10000xf32, #tpu.memory_space<vmem>>[vector<16xi32>], vector<16xf32>,
        %convert_element_type3A_448 = arith.extui %or3A_439 : vector<16xi1> to vector<16xi32>
        %broadcast_in_dim3A_449 = arith.constant true
        %broadcast_in_dim3A_450 = vector.broadcast %broadcast_in_dim3A_449 : i1 to vector<16xi1>
        %masked_cumsum3A_451 = tpu.scan <sum>, %convert_element_type3A_448 masked %broadcast_in_dim3A_450 : vector<16xi32>, vector<16xi1> -> vector<16xi32>
        %add3A_452 = arith.addi %add3A_433, %masked_cumsum3A_451 : vector<16xi32>
        %sub3A_453 = arith.constant 1 : i32
        %sub3A_454 = vector.broadcast %sub3A_453 : i32 to vector<16xi32>
        %sub3A_455 = arith.subi %add3A_452, %sub3A_454 : vector<16xi32>
        tpu.vector_store_idx %arg18[%sub3A_455], %scan3A_288 masked %or3A_439 : memref<8000xi32, #tpu.memory_space<vmem>>[vector<16xi32>], vector<16xi32>, vector<16xi1>
        tpu.vector_store_idx %arg19[%sub3A_455], %scan3A_292 masked %or3A_439 : memref<8000xi32, #tpu.memory_space<vmem>>[vector<16xi32>], vector<16xi32>, vector<16xi1>
        %all_reduce_population_count3A_456 = tpu.all_reduce %or3A_439 {dim = 0 : i64, kind = #tpu.reduction_kind<sum>} : vector<16xi1> -> vector<16xi32>
        %add3A_457 = arith.addi %add3A_433, %all_reduce_population_count3A_456 : vector<16xi32>
        %ne3A_458 = arith.constant 1 : i32
        %ne3A_459 = vector.broadcast %ne3A_458 : i32 to vector<16xi32>
        %ne3A_460 = arith.cmpi ne, %unique3A_308, %ne3A_459 : vector<16xi32>
        %not3A_461 = arith.constant dense<true> : vector<16xi1>
        %not3A_462 = arith.xori %unique3A_307, %not3A_461 : vector<16xi1>
        %or3A_463 = arith.ori %ne3A_460, %not3A_462 : vector<16xi1>
        %gather3A_464 = tpu.vector_load_idx %arg10[%scan3A_293] : memref<10000xf32, #tpu.memory_space<vmem>>[vector<16xi32>], vector<16xf32>,
        %gather3A_465 = tpu.vector_load_idx %arg11[%scan3A_293] : memref<10000xf32, #tpu.memory_space<vmem>>[vector<16xi32>], vector<16xf32>,
        %gather3A_466 = tpu.vector_load_idx %arg12[%scan3A_293] : memref<10000xf32, #tpu.memory_space<vmem>>[vector<16xi32>], vector<16xf32>,
        %gather3A_467 = tpu.vector_load_idx %arg13[%scan3A_293] : memref<10000xf32, #tpu.memory_space<vmem>>[vector<16xi32>], vector<16xf32>,
        %max3A_468 = arith.maximumf %gather3A_388, %gather3A_464 : vector<16xf32>
        tpu.vector_store_idx %arg10[%scan3A_293], %max3A_468 : memref<10000xf32, #tpu.memory_space<vmem>>[vector<16xi32>], vector<16xf32>,
        %max3A_469 = arith.maximumf %gather3A_389, %gather3A_465 : vector<16xf32>
        tpu.vector_store_idx %arg11[%scan3A_293], %max3A_469 : memref<10000xf32, #tpu.memory_space<vmem>>[vector<16xi32>], vector<16xf32>,
        %max3A_470 = arith.maximumf %gather3A_390, %gather3A_466 : vector<16xf32>
        tpu.vector_store_idx %arg12[%scan3A_293], %max3A_470 : memref<10000xf32, #tpu.memory_space<vmem>>[vector<16xi32>], vector<16xf32>,
        %max3A_471 = arith.maximumf %gather3A_391, %gather3A_467 : vector<16xf32>
        tpu.vector_store_idx %arg13[%scan3A_293], %max3A_471 : memref<10000xf32, #tpu.memory_space<vmem>>[vector<16xi32>], vector<16xf32>,
        %convert_element_type3A_472 = arith.extui %or3A_463 : vector<16xi1> to vector<16xi32>
        %broadcast_in_dim3A_473 = arith.constant true
        %broadcast_in_dim3A_474 = vector.broadcast %broadcast_in_dim3A_473 : i1 to vector<16xi1>
        %masked_cumsum3A_475 = tpu.scan <sum>, %convert_element_type3A_472 masked %broadcast_in_dim3A_474 : vector<16xi32>, vector<16xi1> -> vector<16xi32>
        %add3A_476 = arith.addi %add3A_457, %masked_cumsum3A_475 : vector<16xi32>
        %sub3A_477 = arith.constant 1 : i32
        %sub3A_478 = vector.broadcast %sub3A_477 : i32 to vector<16xi32>
        %sub3A_479 = arith.subi %add3A_476, %sub3A_478 : vector<16xi32>
        tpu.vector_store_idx %arg18[%sub3A_479], %scan3A_289 masked %or3A_463 : memref<8000xi32, #tpu.memory_space<vmem>>[vector<16xi32>], vector<16xi32>, vector<16xi1>
        tpu.vector_store_idx %arg19[%sub3A_479], %scan3A_293 masked %or3A_463 : memref<8000xi32, #tpu.memory_space<vmem>>[vector<16xi32>], vector<16xi32>, vector<16xi1>
        %all_reduce_population_count3A_480 = tpu.all_reduce %or3A_463 {dim = 0 : i64, kind = #tpu.reduction_kind<sum>} : vector<16xi1> -> vector<16xi32>
        %add3A_481 = arith.addi %add3A_457, %all_reduce_population_count3A_480 : vector<16xi32>
        scf.yield %add3A_481, %get3A_320, %get3A_328, %get3A_336, %get3A_344, %get3A_352, %get3A_360, %get3A_368, %get3A_376 : vector<16xi32>, vector<16xi32>, vector<16xi32>, vector<16xi32>, vector<16xi32>, vector<16xi32>, vector<16xi32>, vector<16xi32>, vector<16xi32>
      }
      %scan3A_145 = arith.constant 125 : i32
      %reduce_max3A = arith.constant true
      %reduce_max3A_146 = vector.broadcast %reduce_max3A : i1 to vector<16xi1>
      %reduce_max3A_147 = arith.constant -2147483648 : i32
      %reduce_max3A_148 = vector.broadcast %reduce_max3A_147 : i32 to vector<16xi32>
      %reduce_max3A_149 = arith.xori %scan3A_144#0, %reduce_max3A_148 : vector<16xi32>
      %reduce_max3A_150 = tpu.scan <max>, %reduce_max3A_149 masked %reduce_max3A_146 : vector<16xi32>, vector<16xi1> -> vector<16xi32>
      %reduce_max3A_151 = arith.xori %reduce_max3A_150, %reduce_max3A_148 : vector<16xi32>
      %reduce_max3A_152 = vector.extract %reduce_max3A_151[15] : i32 from vector<16xi32>
      %add3A_153 = arith.constant 15 : i32
      %add3A_154 = arith.addi %reduce_max3A_152, %add3A_153 : i32
      %jit3A = arith.constant 16 : i32
      %div3A = arith.divsi %add3A_154, %jit3A : i32
      %sign3A = arith.constant 0 : i32
      %sign3A_155 = arith.cmpi sgt, %add3A_154, %sign3A : i32
      %sign3A_156 = arith.extui %sign3A_155 : i1 to i32
      %sign3A_157 = arith.constant 0 : i32
      %sign3A_158 = arith.cmpi slt, %add3A_154, %sign3A_157 : i32
      %sign3A_159 = arith.extui %sign3A_158 : i1 to i32
      %sign3A_160 = arith.subi %sign3A_156, %sign3A_159 : i32
      %sign3A_161 = arith.constant 0 : i32
      %sign3A_162 = arith.cmpi sgt, %jit3A, %sign3A_161 : i32
      %sign3A_163 = arith.extui %sign3A_162 : i1 to i32
      %sign3A_164 = arith.constant 0 : i32
      %sign3A_165 = arith.cmpi slt, %jit3A, %sign3A_164 : i32
      %sign3A_166 = arith.extui %sign3A_165 : i1 to i32
      %sign3A_167 = arith.subi %sign3A_163, %sign3A_166 : i32
      %ne3A = arith.cmpi ne, %sign3A_160, %sign3A_167 : i32
      %rem3A = arith.remsi %add3A_154, %jit3A : i32
      %ne3A_168 = arith.constant 0 : i32
      %ne3A_169 = arith.cmpi ne, %rem3A, %ne3A_168 : i32
      %and3A = arith.andi %ne3A, %ne3A_169 : i1
      %sub3A = arith.constant 1 : i32
      %sub3A_170 = arith.subi %div3A, %sub3A : i32
      %select_n3A = arith.select %and3A, %sub3A_170, %div3A : i32
      %while3A = arith.constant 0 : i32
      %while3A_171 = arith.constant 0 : i32
      %while3A_172 = arith.subi %select_n3A, %while3A : i32
      %while3A_173 = arith.addi %while3A, %while3A_172 : i32
      %while3A_174 = arith.constant 1 : i32
      %while3A_175 = arith.divsi %while3A_172, %while3A_174 : i32
      %while3A_176 = arith.muli %while3A_175, %while3A_174 : i32
      %while3A_177 = arith.addi %while3A, %while3A_176 : i32
      %while3A_178 = arith.constant 1 : i32
      %while3A_179 = scf.for %while3A_284 = %while3A to %while3A_177 step %while3A_178 iter_args(%while3A_285 = %while3A_171) -> (i32)  : i32 {
        %mul3A_286 = arith.constant 16 : i32
        %mul3A_287 = arith.muli %while3A_284, %mul3A_286 : i32
        %add3A_288 = vector.broadcast %mul3A_287 : i32 to vector<16xi32>
        %add3A_289 = arith.addi %add3A_288, %iota3A : vector<16xi32>
        %lt3A = arith.cmpi slt, %add3A_289, %scan3A_144#0 : vector<16xi32>
        %mul3A_290 = arith.constant 16 : i32
        %mul3A_291 = arith.muli %while3A_284, %mul3A_290 : i32
        %get3A_292 = arith.index_cast %mul3A_291 : i32 to index
        %get3A_293 = tpu.vector_load %arg18[%get3A_292] {strides = array<i32>} : memref<8000xi32, #tpu.memory_space<vmem>>, vector<16xi32>,
        %jit3A_294 = arith.constant 0 : i32
        %broadcast_in_dim3A_295 = vector.broadcast %jit3A_294 : i32 to vector<16xi32>
        %select_n3A_296 = arith.select %lt3A, %get3A_293, %broadcast_in_dim3A_295 : vector<16xi1>, vector<16xi32>
        %mul3A_297 = arith.constant 16 : i32
        %mul3A_298 = arith.muli %while3A_284, %mul3A_297 : i32
        %get3A_299 = arith.index_cast %mul3A_298 : i32 to index
        %get3A_300 = tpu.vector_load %arg19[%get3A_299] {strides = array<i32>} : memref<8000xi32, #tpu.memory_space<vmem>>, vector<16xi32>,
        %jit3A_301 = arith.constant 0 : i32
        %broadcast_in_dim3A_302 = vector.broadcast %jit3A_301 : i32 to vector<16xi32>
        %select_n3A_303 = arith.select %lt3A, %get3A_300, %broadcast_in_dim3A_302 : vector<16xi1>, vector<16xi32>
        %gather3A = tpu.vector_load_idx %arg6[%select_n3A_296] : memref<10000xf32, #tpu.memory_space<vmem>>[vector<16xi32>], vector<16xf32>,
        %gather3A_304 = tpu.vector_load_idx %arg10[%select_n3A_303] : memref<10000xf32, #tpu.memory_space<vmem>>[vector<16xi32>], vector<16xf32>,
        %max3A = arith.maximumf %gather3A, %gather3A_304 : vector<16xf32>
        %jit3A_305 = arith.constant -3.000000e+38 : f32
        %broadcast_in_dim3A_306 = vector.broadcast %jit3A_305 : f32 to vector<16xf32>
        %select_n3A_307 = arith.select %lt3A, %max3A, %broadcast_in_dim3A_306 : vector<16xi1>, vector<16xf32>
        tpu.vector_store_idx %arg10[%select_n3A_303], %select_n3A_307 masked %lt3A : memref<10000xf32, #tpu.memory_space<vmem>>[vector<16xi32>], vector<16xf32>, vector<16xi1>
        %gather3A_308 = tpu.vector_load_idx %arg10[%select_n3A_303] : memref<10000xf32, #tpu.memory_space<vmem>>[vector<16xi32>], vector<16xf32>,
        %while3A_309 = scf.while (%while3A_335 = %gather3A_308) : (vector<16xf32>) -> vector<16xf32> {
          %lt3A_336 = arith.cmpf olt, %while3A_335, %select_n3A_307 : vector<16xf32>
          %reduce_or3A = arith.constant 1.000000e+00 : f32
          %reduce_or3A_337 = arith.constant 0.000000e+00 : f32
          %reduce_or3A_338 = vector.broadcast %reduce_or3A : f32 to vector<16xf32>
          %reduce_or3A_339 = vector.broadcast %reduce_or3A_337 : f32 to vector<16xf32>
          %reduce_or3A_340 = arith.select %lt3A_336, %reduce_or3A_338, %reduce_or3A_339 : vector<16xi1>, vector<16xf32>
          %reduce_or3A_341 = arith.constant true
          %reduce_or3A_342 = vector.broadcast %reduce_or3A_341 : i1 to vector<16xi1>
          %reduce_or3A_343 = tpu.scan <max>, %reduce_or3A_340 masked %reduce_or3A_342 : vector<16xf32>, vector<16xi1> -> vector<16xf32>
          %reduce_or3A_344 = vector.extract %reduce_or3A_343[15] : f32 from vector<16xf32>
          %reduce_or3A_345 = arith.constant 0.000000e+00 : f32
          %reduce_or3A_346 = arith.cmpf ogt, %reduce_or3A_344, %reduce_or3A_345 : f32
          scf.condition(%reduce_or3A_346) %while3A_335 : vector<16xf32>
        } do {
        ^bb0(%while3A_335: vector<16xf32>):
          %lt3A_336 = arith.cmpf olt, %while3A_335, %select_n3A_307 : vector<16xf32>
          tpu.vector_store_idx %arg10[%select_n3A_303], %select_n3A_307 masked %lt3A_336 : memref<10000xf32, #tpu.memory_space<vmem>>[vector<16xi32>], vector<16xf32>, vector<16xi1>
          %gather3A_337 = tpu.vector_load_idx %arg10[%select_n3A_303] : memref<10000xf32, #tpu.memory_space<vmem>>[vector<16xi32>], vector<16xf32>,
          scf.yield %gather3A_337 : vector<16xf32>
        }
        %gather3A_310 = tpu.vector_load_idx %arg7[%select_n3A_296] : memref<10000xf32, #tpu.memory_space<vmem>>[vector<16xi32>], vector<16xf32>,
        %gather3A_311 = tpu.vector_load_idx %arg11[%select_n3A_303] : memref<10000xf32, #tpu.memory_space<vmem>>[vector<16xi32>], vector<16xf32>,
        %max3A_312 = arith.maximumf %gather3A_310, %gather3A_311 : vector<16xf32>
        %jit3A_313 = arith.constant -3.000000e+38 : f32
        %broadcast_in_dim3A_314 = vector.broadcast %jit3A_313 : f32 to vector<16xf32>
        %select_n3A_315 = arith.select %lt3A, %max3A_312, %broadcast_in_dim3A_314 : vector<16xi1>, vector<16xf32>
        tpu.vector_store_idx %arg11[%select_n3A_303], %select_n3A_315 masked %lt3A : memref<10000xf32, #tpu.memory_space<vmem>>[vector<16xi32>], vector<16xf32>, vector<16xi1>
        %gather3A_316 = tpu.vector_load_idx %arg11[%select_n3A_303] : memref<10000xf32, #tpu.memory_space<vmem>>[vector<16xi32>], vector<16xf32>,
        %while3A_317 = scf.while (%while3A_335 = %gather3A_316) : (vector<16xf32>) -> vector<16xf32> {
          %lt3A_336 = arith.cmpf olt, %while3A_335, %select_n3A_315 : vector<16xf32>
          %reduce_or3A = arith.constant 1.000000e+00 : f32
          %reduce_or3A_337 = arith.constant 0.000000e+00 : f32
          %reduce_or3A_338 = vector.broadcast %reduce_or3A : f32 to vector<16xf32>
          %reduce_or3A_339 = vector.broadcast %reduce_or3A_337 : f32 to vector<16xf32>
          %reduce_or3A_340 = arith.select %lt3A_336, %reduce_or3A_338, %reduce_or3A_339 : vector<16xi1>, vector<16xf32>
          %reduce_or3A_341 = arith.constant true
          %reduce_or3A_342 = vector.broadcast %reduce_or3A_341 : i1 to vector<16xi1>
          %reduce_or3A_343 = tpu.scan <max>, %reduce_or3A_340 masked %reduce_or3A_342 : vector<16xf32>, vector<16xi1> -> vector<16xf32>
          %reduce_or3A_344 = vector.extract %reduce_or3A_343[15] : f32 from vector<16xf32>
          %reduce_or3A_345 = arith.constant 0.000000e+00 : f32
          %reduce_or3A_346 = arith.cmpf ogt, %reduce_or3A_344, %reduce_or3A_345 : f32
          scf.condition(%reduce_or3A_346) %while3A_335 : vector<16xf32>
        } do {
        ^bb0(%while3A_335: vector<16xf32>):
          %lt3A_336 = arith.cmpf olt, %while3A_335, %select_n3A_315 : vector<16xf32>
          tpu.vector_store_idx %arg11[%select_n3A_303], %select_n3A_315 masked %lt3A_336 : memref<10000xf32, #tpu.memory_space<vmem>>[vector<16xi32>], vector<16xf32>, vector<16xi1>
          %gather3A_337 = tpu.vector_load_idx %arg11[%select_n3A_303] : memref<10000xf32, #tpu.memory_space<vmem>>[vector<16xi32>], vector<16xf32>,
          scf.yield %gather3A_337 : vector<16xf32>
        }
        %gather3A_318 = tpu.vector_load_idx %arg8[%select_n3A_296] : memref<10000xf32, #tpu.memory_space<vmem>>[vector<16xi32>], vector<16xf32>,
        %gather3A_319 = tpu.vector_load_idx %arg12[%select_n3A_303] : memref<10000xf32, #tpu.memory_space<vmem>>[vector<16xi32>], vector<16xf32>,
        %max3A_320 = arith.maximumf %gather3A_318, %gather3A_319 : vector<16xf32>
        %jit3A_321 = arith.constant -3.000000e+38 : f32
        %broadcast_in_dim3A_322 = vector.broadcast %jit3A_321 : f32 to vector<16xf32>
        %select_n3A_323 = arith.select %lt3A, %max3A_320, %broadcast_in_dim3A_322 : vector<16xi1>, vector<16xf32>
        tpu.vector_store_idx %arg12[%select_n3A_303], %select_n3A_323 masked %lt3A : memref<10000xf32, #tpu.memory_space<vmem>>[vector<16xi32>], vector<16xf32>, vector<16xi1>
        %gather3A_324 = tpu.vector_load_idx %arg12[%select_n3A_303] : memref<10000xf32, #tpu.memory_space<vmem>>[vector<16xi32>], vector<16xf32>,
        %while3A_325 = scf.while (%while3A_335 = %gather3A_324) : (vector<16xf32>) -> vector<16xf32> {
          %lt3A_336 = arith.cmpf olt, %while3A_335, %select_n3A_323 : vector<16xf32>
          %reduce_or3A = arith.constant 1.000000e+00 : f32
          %reduce_or3A_337 = arith.constant 0.000000e+00 : f32
          %reduce_or3A_338 = vector.broadcast %reduce_or3A : f32 to vector<16xf32>
          %reduce_or3A_339 = vector.broadcast %reduce_or3A_337 : f32 to vector<16xf32>
          %reduce_or3A_340 = arith.select %lt3A_336, %reduce_or3A_338, %reduce_or3A_339 : vector<16xi1>, vector<16xf32>
          %reduce_or3A_341 = arith.constant true
          %reduce_or3A_342 = vector.broadcast %reduce_or3A_341 : i1 to vector<16xi1>
          %reduce_or3A_343 = tpu.scan <max>, %reduce_or3A_340 masked %reduce_or3A_342 : vector<16xf32>, vector<16xi1> -> vector<16xf32>
          %reduce_or3A_344 = vector.extract %reduce_or3A_343[15] : f32 from vector<16xf32>
          %reduce_or3A_345 = arith.constant 0.000000e+00 : f32
          %reduce_or3A_346 = arith.cmpf ogt, %reduce_or3A_344, %reduce_or3A_345 : f32
          scf.condition(%reduce_or3A_346) %while3A_335 : vector<16xf32>
        } do {
        ^bb0(%while3A_335: vector<16xf32>):
          %lt3A_336 = arith.cmpf olt, %while3A_335, %select_n3A_323 : vector<16xf32>
          tpu.vector_store_idx %arg12[%select_n3A_303], %select_n3A_323 masked %lt3A_336 : memref<10000xf32, #tpu.memory_space<vmem>>[vector<16xi32>], vector<16xf32>, vector<16xi1>
          %gather3A_337 = tpu.vector_load_idx %arg12[%select_n3A_303] : memref<10000xf32, #tpu.memory_space<vmem>>[vector<16xi32>], vector<16xf32>,
          scf.yield %gather3A_337 : vector<16xf32>
        }
        %gather3A_326 = tpu.vector_load_idx %arg9[%select_n3A_296] : memref<10000xf32, #tpu.memory_space<vmem>>[vector<16xi32>], vector<16xf32>,
        %gather3A_327 = tpu.vector_load_idx %arg13[%select_n3A_303] : memref<10000xf32, #tpu.memory_space<vmem>>[vector<16xi32>], vector<16xf32>,
        %max3A_328 = arith.maximumf %gather3A_326, %gather3A_327 : vector<16xf32>
        %jit3A_329 = arith.constant -3.000000e+38 : f32
        %broadcast_in_dim3A_330 = vector.broadcast %jit3A_329 : f32 to vector<16xf32>
        %select_n3A_331 = arith.select %lt3A, %max3A_328, %broadcast_in_dim3A_330 : vector<16xi1>, vector<16xf32>
        tpu.vector_store_idx %arg13[%select_n3A_303], %select_n3A_331 masked %lt3A : memref<10000xf32, #tpu.memory_space<vmem>>[vector<16xi32>], vector<16xf32>, vector<16xi1>
        %gather3A_332 = tpu.vector_load_idx %arg13[%select_n3A_303] : memref<10000xf32, #tpu.memory_space<vmem>>[vector<16xi32>], vector<16xf32>,
        %while3A_333 = scf.while (%while3A_335 = %gather3A_332) : (vector<16xf32>) -> vector<16xf32> {
          %lt3A_336 = arith.cmpf olt, %while3A_335, %select_n3A_331 : vector<16xf32>
          %reduce_or3A = arith.constant 1.000000e+00 : f32
          %reduce_or3A_337 = arith.constant 0.000000e+00 : f32
          %reduce_or3A_338 = vector.broadcast %reduce_or3A : f32 to vector<16xf32>
          %reduce_or3A_339 = vector.broadcast %reduce_or3A_337 : f32 to vector<16xf32>
          %reduce_or3A_340 = arith.select %lt3A_336, %reduce_or3A_338, %reduce_or3A_339 : vector<16xi1>, vector<16xf32>
          %reduce_or3A_341 = arith.constant true
          %reduce_or3A_342 = vector.broadcast %reduce_or3A_341 : i1 to vector<16xi1>
          %reduce_or3A_343 = tpu.scan <max>, %reduce_or3A_340 masked %reduce_or3A_342 : vector<16xf32>, vector<16xi1> -> vector<16xf32>
          %reduce_or3A_344 = vector.extract %reduce_or3A_343[15] : f32 from vector<16xf32>
          %reduce_or3A_345 = arith.constant 0.000000e+00 : f32
          %reduce_or3A_346 = arith.cmpf ogt, %reduce_or3A_344, %reduce_or3A_345 : f32
          scf.condition(%reduce_or3A_346) %while3A_335 : vector<16xf32>
        } do {
        ^bb0(%while3A_335: vector<16xf32>):
          %lt3A_336 = arith.cmpf olt, %while3A_335, %select_n3A_331 : vector<16xf32>
          tpu.vector_store_idx %arg13[%select_n3A_303], %select_n3A_331 masked %lt3A_336 : memref<10000xf32, #tpu.memory_space<vmem>>[vector<16xi32>], vector<16xf32>, vector<16xi1>
          %gather3A_337 = tpu.vector_load_idx %arg13[%select_n3A_303] : memref<10000xf32, #tpu.memory_space<vmem>>[vector<16xi32>], vector<16xf32>,
          scf.yield %gather3A_337 : vector<16xf32>
        }
        %while3A_334 = arith.constant 0 : i32
        scf.yield %while3A_334 : i32
      }
      %while3A_180 = arith.constant 1 : i32
      %while3A_181 = scf.for %while3A_284 = %while3A_177 to %while3A_173 step %while3A_180 iter_args(%while3A_285 = %while3A_179) -> (i32)  : i32 {
        %mul3A_286 = arith.constant 16 : i32
        %mul3A_287 = arith.muli %while3A_284, %mul3A_286 : i32
        %add3A_288 = vector.broadcast %mul3A_287 : i32 to vector<16xi32>
        %add3A_289 = arith.addi %add3A_288, %iota3A : vector<16xi32>
        %lt3A = arith.cmpi slt, %add3A_289, %scan3A_144#0 : vector<16xi32>
        %mul3A_290 = arith.constant 16 : i32
        %mul3A_291 = arith.muli %while3A_284, %mul3A_290 : i32
        %get3A_292 = arith.index_cast %mul3A_291 : i32 to index
        %get3A_293 = tpu.vector_load %arg18[%get3A_292] {strides = array<i32>} : memref<8000xi32, #tpu.memory_space<vmem>>, vector<16xi32>,
        %jit3A_294 = arith.constant 0 : i32
        %broadcast_in_dim3A_295 = vector.broadcast %jit3A_294 : i32 to vector<16xi32>
        %select_n3A_296 = arith.select %lt3A, %get3A_293, %broadcast_in_dim3A_295 : vector<16xi1>, vector<16xi32>
        %mul3A_297 = arith.constant 16 : i32
        %mul3A_298 = arith.muli %while3A_284, %mul3A_297 : i32
        %get3A_299 = arith.index_cast %mul3A_298 : i32 to index
        %get3A_300 = tpu.vector_load %arg19[%get3A_299] {strides = array<i32>} : memref<8000xi32, #tpu.memory_space<vmem>>, vector<16xi32>,
        %jit3A_301 = arith.constant 0 : i32
        %broadcast_in_dim3A_302 = vector.broadcast %jit3A_301 : i32 to vector<16xi32>
        %select_n3A_303 = arith.select %lt3A, %get3A_300, %broadcast_in_dim3A_302 : vector<16xi1>, vector<16xi32>
        %gather3A = tpu.vector_load_idx %arg6[%select_n3A_296] : memref<10000xf32, #tpu.memory_space<vmem>>[vector<16xi32>], vector<16xf32>,
        %gather3A_304 = tpu.vector_load_idx %arg10[%select_n3A_303] : memref<10000xf32, #tpu.memory_space<vmem>>[vector<16xi32>], vector<16xf32>,
        %max3A = arith.maximumf %gather3A, %gather3A_304 : vector<16xf32>
        %jit3A_305 = arith.constant -3.000000e+38 : f32
        %broadcast_in_dim3A_306 = vector.broadcast %jit3A_305 : f32 to vector<16xf32>
        %select_n3A_307 = arith.select %lt3A, %max3A, %broadcast_in_dim3A_306 : vector<16xi1>, vector<16xf32>
        tpu.vector_store_idx %arg10[%select_n3A_303], %select_n3A_307 masked %lt3A : memref<10000xf32, #tpu.memory_space<vmem>>[vector<16xi32>], vector<16xf32>, vector<16xi1>
        %gather3A_308 = tpu.vector_load_idx %arg10[%select_n3A_303] : memref<10000xf32, #tpu.memory_space<vmem>>[vector<16xi32>], vector<16xf32>,
        %while3A_309 = scf.while (%while3A_335 = %gather3A_308) : (vector<16xf32>) -> vector<16xf32> {
          %lt3A_336 = arith.cmpf olt, %while3A_335, %select_n3A_307 : vector<16xf32>
          %reduce_or3A = arith.constant 1.000000e+00 : f32
          %reduce_or3A_337 = arith.constant 0.000000e+00 : f32
          %reduce_or3A_338 = vector.broadcast %reduce_or3A : f32 to vector<16xf32>
          %reduce_or3A_339 = vector.broadcast %reduce_or3A_337 : f32 to vector<16xf32>
          %reduce_or3A_340 = arith.select %lt3A_336, %reduce_or3A_338, %reduce_or3A_339 : vector<16xi1>, vector<16xf32>
          %reduce_or3A_341 = arith.constant true
          %reduce_or3A_342 = vector.broadcast %reduce_or3A_341 : i1 to vector<16xi1>
          %reduce_or3A_343 = tpu.scan <max>, %reduce_or3A_340 masked %reduce_or3A_342 : vector<16xf32>, vector<16xi1> -> vector<16xf32>
          %reduce_or3A_344 = vector.extract %reduce_or3A_343[15] : f32 from vector<16xf32>
          %reduce_or3A_345 = arith.constant 0.000000e+00 : f32
          %reduce_or3A_346 = arith.cmpf ogt, %reduce_or3A_344, %reduce_or3A_345 : f32
          scf.condition(%reduce_or3A_346) %while3A_335 : vector<16xf32>
        } do {
        ^bb0(%while3A_335: vector<16xf32>):
          %lt3A_336 = arith.cmpf olt, %while3A_335, %select_n3A_307 : vector<16xf32>
          tpu.vector_store_idx %arg10[%select_n3A_303], %select_n3A_307 masked %lt3A_336 : memref<10000xf32, #tpu.memory_space<vmem>>[vector<16xi32>], vector<16xf32>, vector<16xi1>
          %gather3A_337 = tpu.vector_load_idx %arg10[%select_n3A_303] : memref<10000xf32, #tpu.memory_space<vmem>>[vector<16xi32>], vector<16xf32>,
          scf.yield %gather3A_337 : vector<16xf32>
        }
        %gather3A_310 = tpu.vector_load_idx %arg7[%select_n3A_296] : memref<10000xf32, #tpu.memory_space<vmem>>[vector<16xi32>], vector<16xf32>,
        %gather3A_311 = tpu.vector_load_idx %arg11[%select_n3A_303] : memref<10000xf32, #tpu.memory_space<vmem>>[vector<16xi32>], vector<16xf32>,
        %max3A_312 = arith.maximumf %gather3A_310, %gather3A_311 : vector<16xf32>
        %jit3A_313 = arith.constant -3.000000e+38 : f32
        %broadcast_in_dim3A_314 = vector.broadcast %jit3A_313 : f32 to vector<16xf32>
        %select_n3A_315 = arith.select %lt3A, %max3A_312, %broadcast_in_dim3A_314 : vector<16xi1>, vector<16xf32>
        tpu.vector_store_idx %arg11[%select_n3A_303], %select_n3A_315 masked %lt3A : memref<10000xf32, #tpu.memory_space<vmem>>[vector<16xi32>], vector<16xf32>, vector<16xi1>
        %gather3A_316 = tpu.vector_load_idx %arg11[%select_n3A_303] : memref<10000xf32, #tpu.memory_space<vmem>>[vector<16xi32>], vector<16xf32>,
        %while3A_317 = scf.while (%while3A_335 = %gather3A_316) : (vector<16xf32>) -> vector<16xf32> {
          %lt3A_336 = arith.cmpf olt, %while3A_335, %select_n3A_315 : vector<16xf32>
          %reduce_or3A = arith.constant 1.000000e+00 : f32
          %reduce_or3A_337 = arith.constant 0.000000e+00 : f32
          %reduce_or3A_338 = vector.broadcast %reduce_or3A : f32 to vector<16xf32>
          %reduce_or3A_339 = vector.broadcast %reduce_or3A_337 : f32 to vector<16xf32>
          %reduce_or3A_340 = arith.select %lt3A_336, %reduce_or3A_338, %reduce_or3A_339 : vector<16xi1>, vector<16xf32>
          %reduce_or3A_341 = arith.constant true
          %reduce_or3A_342 = vector.broadcast %reduce_or3A_341 : i1 to vector<16xi1>
          %reduce_or3A_343 = tpu.scan <max>, %reduce_or3A_340 masked %reduce_or3A_342 : vector<16xf32>, vector<16xi1> -> vector<16xf32>
          %reduce_or3A_344 = vector.extract %reduce_or3A_343[15] : f32 from vector<16xf32>
          %reduce_or3A_345 = arith.constant 0.000000e+00 : f32
          %reduce_or3A_346 = arith.cmpf ogt, %reduce_or3A_344, %reduce_or3A_345 : f32
          scf.condition(%reduce_or3A_346) %while3A_335 : vector<16xf32>
        } do {
        ^bb0(%while3A_335: vector<16xf32>):
          %lt3A_336 = arith.cmpf olt, %while3A_335, %select_n3A_315 : vector<16xf32>
          tpu.vector_store_idx %arg11[%select_n3A_303], %select_n3A_315 masked %lt3A_336 : memref<10000xf32, #tpu.memory_space<vmem>>[vector<16xi32>], vector<16xf32>, vector<16xi1>
          %gather3A_337 = tpu.vector_load_idx %arg11[%select_n3A_303] : memref<10000xf32, #tpu.memory_space<vmem>>[vector<16xi32>], vector<16xf32>,
          scf.yield %gather3A_337 : vector<16xf32>
        }
        %gather3A_318 = tpu.vector_load_idx %arg8[%select_n3A_296] : memref<10000xf32, #tpu.memory_space<vmem>>[vector<16xi32>], vector<16xf32>,
        %gather3A_319 = tpu.vector_load_idx %arg12[%select_n3A_303] : memref<10000xf32, #tpu.memory_space<vmem>>[vector<16xi32>], vector<16xf32>,
        %max3A_320 = arith.maximumf %gather3A_318, %gather3A_319 : vector<16xf32>
        %jit3A_321 = arith.constant -3.000000e+38 : f32
        %broadcast_in_dim3A_322 = vector.broadcast %jit3A_321 : f32 to vector<16xf32>
        %select_n3A_323 = arith.select %lt3A, %max3A_320, %broadcast_in_dim3A_322 : vector<16xi1>, vector<16xf32>
        tpu.vector_store_idx %arg12[%select_n3A_303], %select_n3A_323 masked %lt3A : memref<10000xf32, #tpu.memory_space<vmem>>[vector<16xi32>], vector<16xf32>, vector<16xi1>
        %gather3A_324 = tpu.vector_load_idx %arg12[%select_n3A_303] : memref<10000xf32, #tpu.memory_space<vmem>>[vector<16xi32>], vector<16xf32>,
        %while3A_325 = scf.while (%while3A_335 = %gather3A_324) : (vector<16xf32>) -> vector<16xf32> {
          %lt3A_336 = arith.cmpf olt, %while3A_335, %select_n3A_323 : vector<16xf32>
          %reduce_or3A = arith.constant 1.000000e+00 : f32
          %reduce_or3A_337 = arith.constant 0.000000e+00 : f32
          %reduce_or3A_338 = vector.broadcast %reduce_or3A : f32 to vector<16xf32>
          %reduce_or3A_339 = vector.broadcast %reduce_or3A_337 : f32 to vector<16xf32>
          %reduce_or3A_340 = arith.select %lt3A_336, %reduce_or3A_338, %reduce_or3A_339 : vector<16xi1>, vector<16xf32>
          %reduce_or3A_341 = arith.constant true
          %reduce_or3A_342 = vector.broadcast %reduce_or3A_341 : i1 to vector<16xi1>
          %reduce_or3A_343 = tpu.scan <max>, %reduce_or3A_340 masked %reduce_or3A_342 : vector<16xf32>, vector<16xi1> -> vector<16xf32>
          %reduce_or3A_344 = vector.extract %reduce_or3A_343[15] : f32 from vector<16xf32>
          %reduce_or3A_345 = arith.constant 0.000000e+00 : f32
          %reduce_or3A_346 = arith.cmpf ogt, %reduce_or3A_344, %reduce_or3A_345 : f32
          scf.condition(%reduce_or3A_346) %while3A_335 : vector<16xf32>
        } do {
        ^bb0(%while3A_335: vector<16xf32>):
          %lt3A_336 = arith.cmpf olt, %while3A_335, %select_n3A_323 : vector<16xf32>
          tpu.vector_store_idx %arg12[%select_n3A_303], %select_n3A_323 masked %lt3A_336 : memref<10000xf32, #tpu.memory_space<vmem>>[vector<16xi32>], vector<16xf32>, vector<16xi1>
          %gather3A_337 = tpu.vector_load_idx %arg12[%select_n3A_303] : memref<10000xf32, #tpu.memory_space<vmem>>[vector<16xi32>], vector<16xf32>,
          scf.yield %gather3A_337 : vector<16xf32>
        }
        %gather3A_326 = tpu.vector_load_idx %arg9[%select_n3A_296] : memref<10000xf32, #tpu.memory_space<vmem>>[vector<16xi32>], vector<16xf32>,
        %gather3A_327 = tpu.vector_load_idx %arg13[%select_n3A_303] : memref<10000xf32, #tpu.memory_space<vmem>>[vector<16xi32>], vector<16xf32>,
        %max3A_328 = arith.maximumf %gather3A_326, %gather3A_327 : vector<16xf32>
        %jit3A_329 = arith.constant -3.000000e+38 : f32
        %broadcast_in_dim3A_330 = vector.broadcast %jit3A_329 : f32 to vector<16xf32>
        %select_n3A_331 = arith.select %lt3A, %max3A_328, %broadcast_in_dim3A_330 : vector<16xi1>, vector<16xf32>
        tpu.vector_store_idx %arg13[%select_n3A_303], %select_n3A_331 masked %lt3A : memref<10000xf32, #tpu.memory_space<vmem>>[vector<16xi32>], vector<16xf32>, vector<16xi1>
        %gather3A_332 = tpu.vector_load_idx %arg13[%select_n3A_303] : memref<10000xf32, #tpu.memory_space<vmem>>[vector<16xi32>], vector<16xf32>,
        %while3A_333 = scf.while (%while3A_335 = %gather3A_332) : (vector<16xf32>) -> vector<16xf32> {
          %lt3A_336 = arith.cmpf olt, %while3A_335, %select_n3A_331 : vector<16xf32>
          %reduce_or3A = arith.constant 1.000000e+00 : f32
          %reduce_or3A_337 = arith.constant 0.000000e+00 : f32
          %reduce_or3A_338 = vector.broadcast %reduce_or3A : f32 to vector<16xf32>
          %reduce_or3A_339 = vector.broadcast %reduce_or3A_337 : f32 to vector<16xf32>
          %reduce_or3A_340 = arith.select %lt3A_336, %reduce_or3A_338, %reduce_or3A_339 : vector<16xi1>, vector<16xf32>
          %reduce_or3A_341 = arith.constant true
          %reduce_or3A_342 = vector.broadcast %reduce_or3A_341 : i1 to vector<16xi1>
          %reduce_or3A_343 = tpu.scan <max>, %reduce_or3A_340 masked %reduce_or3A_342 : vector<16xf32>, vector<16xi1> -> vector<16xf32>
          %reduce_or3A_344 = vector.extract %reduce_or3A_343[15] : f32 from vector<16xf32>
          %reduce_or3A_345 = arith.constant 0.000000e+00 : f32
          %reduce_or3A_346 = arith.cmpf ogt, %reduce_or3A_344, %reduce_or3A_345 : f32
          scf.condition(%reduce_or3A_346) %while3A_335 : vector<16xf32>
        } do {
        ^bb0(%while3A_335: vector<16xf32>):
          %lt3A_336 = arith.cmpf olt, %while3A_335, %select_n3A_331 : vector<16xf32>
          tpu.vector_store_idx %arg13[%select_n3A_303], %select_n3A_331 masked %lt3A_336 : memref<10000xf32, #tpu.memory_space<vmem>>[vector<16xi32>], vector<16xf32>, vector<16xi1>
          %gather3A_337 = tpu.vector_load_idx %arg13[%select_n3A_303] : memref<10000xf32, #tpu.memory_space<vmem>>[vector<16xi32>], vector<16xf32>,
          scf.yield %gather3A_337 : vector<16xf32>
        }
        %while3A_334 = arith.constant 0 : i32
        scf.yield %while3A_334 : i32
      }
      %add3A_182 = arith.constant 2 : i32
      %add3A_183 = arith.addi %mul3A_92, %add3A_182 : i32
      %min3A = arith.constant 39 : i32
      %min3A_184 = arith.minsi %add3A_183, %min3A : i32
      %mul3A_185 = arith.constant 8000 : i32
      %mul3A_186 = arith.muli %min3A_184, %mul3A_185 : i32
      %dma_start3A_187 = arith.constant 0 : i32
      %dma_start3A_188 = tpu.memref_slice %arg3[%mul3A_186] : memref<320000xi32, #tpu.memory_space<hbm>> -> memref<8000xi32, #tpu.memory_space<hbm>>
      %dma_start3A_189 = tpu.memref_slice %arg20[%dma_start3A_187] : memref<4x!tpu.dma_semaphore, #tpu.memory_space<semaphore_mem>> -> memref<1x!tpu.dma_semaphore, #tpu.memory_space<semaphore_mem>>
      %dma_start3A_190 = tpu.memref_squeeze %dma_start3A_189 : memref<1x!tpu.dma_semaphore, #tpu.memory_space<semaphore_mem>> -> memref<!tpu.dma_semaphore, #tpu.memory_space<semaphore_mem>>
      %dma_start3A_191 = tpu.memref_slice %arg3[%mul3A_186] : memref<320000xi32, #tpu.memory_space<hbm>> -> memref<8000xi32, #tpu.memory_space<hbm>>
      tpu.enqueue_dma source(%dma_start3A_191 : memref<8000xi32, #tpu.memory_space<hbm>>) target(%arg14 : memref<8000xi32, #tpu.memory_space<vmem>>) target_semaphore(%dma_start3A_190 : memref<!tpu.dma_semaphore, #tpu.memory_space<semaphore_mem>>)
      %mul3A_192 = arith.constant 8000 : i32
      %mul3A_193 = arith.muli %min3A_184, %mul3A_192 : i32
      %dma_start3A_194 = arith.constant 1 : i32
      %dma_start3A_195 = tpu.memref_slice %arg4[%mul3A_193] : memref<320000xi32, #tpu.memory_space<hbm>> -> memref<8000xi32, #tpu.memory_space<hbm>>
      %dma_start3A_196 = tpu.memref_slice %arg20[%dma_start3A_194] : memref<4x!tpu.dma_semaphore, #tpu.memory_space<semaphore_mem>> -> memref<1x!tpu.dma_semaphore, #tpu.memory_space<semaphore_mem>>
      %dma_start3A_197 = tpu.memref_squeeze %dma_start3A_196 : memref<1x!tpu.dma_semaphore, #tpu.memory_space<semaphore_mem>> -> memref<!tpu.dma_semaphore, #tpu.memory_space<semaphore_mem>>
      %dma_start3A_198 = tpu.memref_slice %arg4[%mul3A_193] : memref<320000xi32, #tpu.memory_space<hbm>> -> memref<8000xi32, #tpu.memory_space<hbm>>
      tpu.enqueue_dma source(%dma_start3A_198 : memref<8000xi32, #tpu.memory_space<hbm>>) target(%arg15 : memref<8000xi32, #tpu.memory_space<vmem>>) target_semaphore(%dma_start3A_197 : memref<!tpu.dma_semaphore, #tpu.memory_space<semaphore_mem>>)
      %mul3A_199 = arith.constant 8000 : i32
      %mul3A_200 = arith.muli %add3A_94, %mul3A_199 : i32
      %dma_wait3A_201 = arith.constant 2 : i32
      %dma_wait3A_202 = tpu.memref_slice %arg3[%mul3A_200] : memref<320000xi32, #tpu.memory_space<hbm>> -> memref<8000xi32, #tpu.memory_space<hbm>>
      %dma_wait3A_203 = tpu.memref_slice %arg20[%dma_wait3A_201] : memref<4x!tpu.dma_semaphore, #tpu.memory_space<semaphore_mem>> -> memref<1x!tpu.dma_semaphore, #tpu.memory_space<semaphore_mem>>
      %dma_wait3A_204 = tpu.memref_squeeze %dma_wait3A_203 : memref<1x!tpu.dma_semaphore, #tpu.memory_space<semaphore_mem>> -> memref<!tpu.dma_semaphore, #tpu.memory_space<semaphore_mem>>
      %dma_wait3A_205 = tpu.memref_slice %arg3[%mul3A_200] : memref<320000xi32, #tpu.memory_space<hbm>> -> memref<8000xi32, #tpu.memory_space<hbm>>
      tpu.wait_dma2 semaphore(%dma_wait3A_204 : memref<!tpu.dma_semaphore, #tpu.memory_space<semaphore_mem>>) src(%dma_wait3A_205 : memref<8000xi32, #tpu.memory_space<hbm>>) dst(%arg16 : memref<8000xi32, #tpu.memory_space<vmem>>)
      %mul3A_206 = arith.constant 8000 : i32
      %mul3A_207 = arith.muli %add3A_94, %mul3A_206 : i32
      %dma_wait3A_208 = arith.constant 3 : i32
      %dma_wait3A_209 = tpu.memref_slice %arg4[%mul3A_207] : memref<320000xi32, #tpu.memory_space<hbm>> -> memref<8000xi32, #tpu.memory_space<hbm>>
      %dma_wait3A_210 = tpu.memref_slice %arg20[%dma_wait3A_208] : memref<4x!tpu.dma_semaphore, #tpu.memory_space<semaphore_mem>> -> memref<1x!tpu.dma_semaphore, #tpu.memory_space<semaphore_mem>>
      %dma_wait3A_211 = tpu.memref_squeeze %dma_wait3A_210 : memref<1x!tpu.dma_semaphore, #tpu.memory_space<semaphore_mem>> -> memref<!tpu.dma_semaphore, #tpu.memory_space<semaphore_mem>>
      %dma_wait3A_212 = tpu.memref_slice %arg4[%mul3A_207] : memref<320000xi32, #tpu.memory_space<hbm>> -> memref<8000xi32, #tpu.memory_space<hbm>>
      tpu.wait_dma2 semaphore(%dma_wait3A_211 : memref<!tpu.dma_semaphore, #tpu.memory_space<semaphore_mem>>) src(%dma_wait3A_212 : memref<8000xi32, #tpu.memory_space<hbm>>) dst(%arg17 : memref<8000xi32, #tpu.memory_space<vmem>>)
      %broadcast_in_dim3A_213 = arith.constant 0 : i32
      %broadcast_in_dim3A_214 = vector.broadcast %broadcast_in_dim3A_213 : i32 to vector<16xi32>
      %get3A_215 = arith.constant 0 : index
      %get3A_216 = tpu.vector_load %arg16[%get3A_215] {strides = array<i32>} : memref<8000xi32, #tpu.memory_space<vmem>>, vector<16xi32>,
      %get3A_217 = arith.constant 16 : index
      %get3A_218 = tpu.vector_load %arg16[%get3A_217] {strides = array<i32>} : memref<8000xi32, #tpu.memory_space<vmem>>, vector<16xi32>,
      %get3A_219 = arith.constant 32 : index
      %get3A_220 = tpu.vector_load %arg16[%get3A_219] {strides = array<i32>} : memref<8000xi32, #tpu.memory_space<vmem>>, vector<16xi32>,
      %get3A_221 = arith.constant 48 : index
      %get3A_222 = tpu.vector_load %arg16[%get3A_221] {strides = array<i32>} : memref<8000xi32, #tpu.memory_space<vmem>>, vector<16xi32>,
      %get3A_223 = arith.constant 0 : index
      %get3A_224 = tpu.vector_load %arg17[%get3A_223] {strides = array<i32>} : memref<8000xi32, #tpu.memory_space<vmem>>, vector<16xi32>,
      %get3A_225 = arith.constant 16 : index
      %get3A_226 = tpu.vector_load %arg17[%get3A_225] {strides = array<i32>} : memref<8000xi32, #tpu.memory_space<vmem>>, vector<16xi32>,
      %get3A_227 = arith.constant 32 : index
      %get3A_228 = tpu.vector_load %arg17[%get3A_227] {strides = array<i32>} : memref<8000xi32, #tpu.memory_space<vmem>>, vector<16xi32>,
      %get3A_229 = arith.constant 48 : index
      %get3A_230 = tpu.vector_load %arg17[%get3A_229] {strides = array<i32>} : memref<8000xi32, #tpu.memory_space<vmem>>, vector<16xi32>,
      %scan3A_231 = arith.constant 0 : i32
      %scan3A_232 = arith.constant 125 : i32
      %scan3A_233 = arith.addi %scan3A_231, %scan3A_232 : i32
      %scan3A_234 = arith.constant 1 : i32
      %scan3A_235:9 = scf.for %scan3A_284 = %scan3A_231 to %scan3A_233 step %scan3A_234 iter_args(%scan3A_285 = %broadcast_in_dim3A_214, %scan3A_286 = %get3A_216, %scan3A_287 = %get3A_218, %scan3A_288 = %get3A_220, %scan3A_289 = %get3A_222, %scan3A_290 = %get3A_224, %scan3A_291 = %get3A_226, %scan3A_292 = %get3A_228, %scan3A_293 = %get3A_230) -> (vector<16xi32>, vector<16xi32>, vector<16xi32>, vector<16xi32>, vector<16xi32>, vector<16xi32>, vector<16xi32>, vector<16xi32>, vector<16xi32>)  : i32 {
        %broadcast_in_dim3A_294 = arith.constant true
        %broadcast_in_dim3A_295 = vector.broadcast %broadcast_in_dim3A_294 : i1 to vector<16xi1>
        %unique3A, %unique3A_296 = tpu.scan_count mask(%broadcast_in_dim3A_295 : vector<16xi1>) value(%scan3A_290 : vector<16xi32>) : vector<16xi1>, vector<16xi32>
        %broadcast_in_dim3A_297 = arith.constant true
        %broadcast_in_dim3A_298 = vector.broadcast %broadcast_in_dim3A_297 : i1 to vector<16xi1>
        %unique3A_299, %unique3A_300 = tpu.scan_count mask(%broadcast_in_dim3A_298 : vector<16xi1>) value(%scan3A_291 : vector<16xi32>) : vector<16xi1>, vector<16xi32>
        %broadcast_in_dim3A_301 = arith.constant true
        %broadcast_in_dim3A_302 = vector.broadcast %broadcast_in_dim3A_301 : i1 to vector<16xi1>
        %unique3A_303, %unique3A_304 = tpu.scan_count mask(%broadcast_in_dim3A_302 : vector<16xi1>) value(%scan3A_292 : vector<16xi32>) : vector<16xi1>, vector<16xi32>
        %broadcast_in_dim3A_305 = arith.constant true
        %broadcast_in_dim3A_306 = vector.broadcast %broadcast_in_dim3A_305 : i1 to vector<16xi1>
        %unique3A_307, %unique3A_308 = tpu.scan_count mask(%broadcast_in_dim3A_306 : vector<16xi1>) value(%scan3A_293 : vector<16xi32>) : vector<16xi1>, vector<16xi32>
        %add3A_309 = arith.constant 1 : i32
        %add3A_310 = arith.addi %scan3A_284, %add3A_309 : i32
        %min3A_311 = arith.constant 124 : i32
        %min3A_312 = arith.minsi %add3A_310, %min3A_311 : i32
        %mul3A_313 = arith.constant 4 : i32
        %mul3A_314 = arith.muli %mul3A_313, %min3A_312 : i32
        %add3A_315 = arith.constant 0 : i32
        %add3A_316 = arith.addi %mul3A_314, %add3A_315 : i32
        %mul3A_317 = arith.constant 16 : i32
        %mul3A_318 = arith.muli %add3A_316, %mul3A_317 : i32
        %get3A_319 = arith.index_cast %mul3A_318 : i32 to index
        %get3A_320 = tpu.vector_load %arg16[%get3A_319] {strides = array<i32>} : memref<8000xi32, #tpu.memory_space<vmem>>, vector<16xi32>,
        %mul3A_321 = arith.constant 4 : i32
        %mul3A_322 = arith.muli %mul3A_321, %min3A_312 : i32
        %add3A_323 = arith.constant 1 : i32
        %add3A_324 = arith.addi %mul3A_322, %add3A_323 : i32
        %mul3A_325 = arith.constant 16 : i32
        %mul3A_326 = arith.muli %add3A_324, %mul3A_325 : i32
        %get3A_327 = arith.index_cast %mul3A_326 : i32 to index
        %get3A_328 = tpu.vector_load %arg16[%get3A_327] {strides = array<i32>} : memref<8000xi32, #tpu.memory_space<vmem>>, vector<16xi32>,
        %mul3A_329 = arith.constant 4 : i32
        %mul3A_330 = arith.muli %mul3A_329, %min3A_312 : i32
        %add3A_331 = arith.constant 2 : i32
        %add3A_332 = arith.addi %mul3A_330, %add3A_331 : i32
        %mul3A_333 = arith.constant 16 : i32
        %mul3A_334 = arith.muli %add3A_332, %mul3A_333 : i32
        %get3A_335 = arith.index_cast %mul3A_334 : i32 to index
        %get3A_336 = tpu.vector_load %arg16[%get3A_335] {strides = array<i32>} : memref<8000xi32, #tpu.memory_space<vmem>>, vector<16xi32>,
        %mul3A_337 = arith.constant 4 : i32
        %mul3A_338 = arith.muli %mul3A_337, %min3A_312 : i32
        %add3A_339 = arith.constant 3 : i32
        %add3A_340 = arith.addi %mul3A_338, %add3A_339 : i32
        %mul3A_341 = arith.constant 16 : i32
        %mul3A_342 = arith.muli %add3A_340, %mul3A_341 : i32
        %get3A_343 = arith.index_cast %mul3A_342 : i32 to index
        %get3A_344 = tpu.vector_load %arg16[%get3A_343] {strides = array<i32>} : memref<8000xi32, #tpu.memory_space<vmem>>, vector<16xi32>,
        %mul3A_345 = arith.constant 4 : i32
        %mul3A_346 = arith.muli %mul3A_345, %min3A_312 : i32
        %add3A_347 = arith.constant 0 : i32
        %add3A_348 = arith.addi %mul3A_346, %add3A_347 : i32
        %mul3A_349 = arith.constant 16 : i32
        %mul3A_350 = arith.muli %add3A_348, %mul3A_349 : i32
        %get3A_351 = arith.index_cast %mul3A_350 : i32 to index
        %get3A_352 = tpu.vector_load %arg17[%get3A_351] {strides = array<i32>} : memref<8000xi32, #tpu.memory_space<vmem>>, vector<16xi32>,
        %mul3A_353 = arith.constant 4 : i32
        %mul3A_354 = arith.muli %mul3A_353, %min3A_312 : i32
        %add3A_355 = arith.constant 1 : i32
        %add3A_356 = arith.addi %mul3A_354, %add3A_355 : i32
        %mul3A_357 = arith.constant 16 : i32
        %mul3A_358 = arith.muli %add3A_356, %mul3A_357 : i32
        %get3A_359 = arith.index_cast %mul3A_358 : i32 to index
        %get3A_360 = tpu.vector_load %arg17[%get3A_359] {strides = array<i32>} : memref<8000xi32, #tpu.memory_space<vmem>>, vector<16xi32>,
        %mul3A_361 = arith.constant 4 : i32
        %mul3A_362 = arith.muli %mul3A_361, %min3A_312 : i32
        %add3A_363 = arith.constant 2 : i32
        %add3A_364 = arith.addi %mul3A_362, %add3A_363 : i32
        %mul3A_365 = arith.constant 16 : i32
        %mul3A_366 = arith.muli %add3A_364, %mul3A_365 : i32
        %get3A_367 = arith.index_cast %mul3A_366 : i32 to index
        %get3A_368 = tpu.vector_load %arg17[%get3A_367] {strides = array<i32>} : memref<8000xi32, #tpu.memory_space<vmem>>, vector<16xi32>,
        %mul3A_369 = arith.constant 4 : i32
        %mul3A_370 = arith.muli %mul3A_369, %min3A_312 : i32
        %add3A_371 = arith.constant 3 : i32
        %add3A_372 = arith.addi %mul3A_370, %add3A_371 : i32
        %mul3A_373 = arith.constant 16 : i32
        %mul3A_374 = arith.muli %add3A_372, %mul3A_373 : i32
        %get3A_375 = arith.index_cast %mul3A_374 : i32 to index
        %get3A_376 = tpu.vector_load %arg17[%get3A_375] {strides = array<i32>} : memref<8000xi32, #tpu.memory_space<vmem>>, vector<16xi32>,
        %gather3A = tpu.vector_load_idx %arg6[%scan3A_286] : memref<10000xf32, #tpu.memory_space<vmem>>[vector<16xi32>], vector<16xf32>,
        %gather3A_377 = tpu.vector_load_idx %arg7[%scan3A_286] : memref<10000xf32, #tpu.memory_space<vmem>>[vector<16xi32>], vector<16xf32>,
        %gather3A_378 = tpu.vector_load_idx %arg8[%scan3A_286] : memref<10000xf32, #tpu.memory_space<vmem>>[vector<16xi32>], vector<16xf32>,
        %gather3A_379 = tpu.vector_load_idx %arg9[%scan3A_286] : memref<10000xf32, #tpu.memory_space<vmem>>[vector<16xi32>], vector<16xf32>,
        %gather3A_380 = tpu.vector_load_idx %arg6[%scan3A_287] : memref<10000xf32, #tpu.memory_space<vmem>>[vector<16xi32>], vector<16xf32>,
        %gather3A_381 = tpu.vector_load_idx %arg7[%scan3A_287] : memref<10000xf32, #tpu.memory_space<vmem>>[vector<16xi32>], vector<16xf32>,
        %gather3A_382 = tpu.vector_load_idx %arg8[%scan3A_287] : memref<10000xf32, #tpu.memory_space<vmem>>[vector<16xi32>], vector<16xf32>,
        %gather3A_383 = tpu.vector_load_idx %arg9[%scan3A_287] : memref<10000xf32, #tpu.memory_space<vmem>>[vector<16xi32>], vector<16xf32>,
        %gather3A_384 = tpu.vector_load_idx %arg6[%scan3A_288] : memref<10000xf32, #tpu.memory_space<vmem>>[vector<16xi32>], vector<16xf32>,
        %gather3A_385 = tpu.vector_load_idx %arg7[%scan3A_288] : memref<10000xf32, #tpu.memory_space<vmem>>[vector<16xi32>], vector<16xf32>,
        %gather3A_386 = tpu.vector_load_idx %arg8[%scan3A_288] : memref<10000xf32, #tpu.memory_space<vmem>>[vector<16xi32>], vector<16xf32>,
        %gather3A_387 = tpu.vector_load_idx %arg9[%scan3A_288] : memref<10000xf32, #tpu.memory_space<vmem>>[vector<16xi32>], vector<16xf32>,
        %gather3A_388 = tpu.vector_load_idx %arg6[%scan3A_289] : memref<10000xf32, #tpu.memory_space<vmem>>[vector<16xi32>], vector<16xf32>,
        %gather3A_389 = tpu.vector_load_idx %arg7[%scan3A_289] : memref<10000xf32, #tpu.memory_space<vmem>>[vector<16xi32>], vector<16xf32>,
        %gather3A_390 = tpu.vector_load_idx %arg8[%scan3A_289] : memref<10000xf32, #tpu.memory_space<vmem>>[vector<16xi32>], vector<16xf32>,
        %gather3A_391 = tpu.vector_load_idx %arg9[%scan3A_289] : memref<10000xf32, #tpu.memory_space<vmem>>[vector<16xi32>], vector<16xf32>,
        %ne3A_392 = arith.constant 1 : i32
        %ne3A_393 = vector.broadcast %ne3A_392 : i32 to vector<16xi32>
        %ne3A_394 = arith.cmpi ne, %unique3A_296, %ne3A_393 : vector<16xi32>
        %not3A = arith.constant dense<true> : vector<16xi1>
        %not3A_395 = arith.xori %unique3A, %not3A : vector<16xi1>
        %or3A = arith.ori %ne3A_394, %not3A_395 : vector<16xi1>
        %gather3A_396 = tpu.vector_load_idx %arg10[%scan3A_290] : memref<10000xf32, #tpu.memory_space<vmem>>[vector<16xi32>], vector<16xf32>,
        %gather3A_397 = tpu.vector_load_idx %arg11[%scan3A_290] : memref<10000xf32, #tpu.memory_space<vmem>>[vector<16xi32>], vector<16xf32>,
        %gather3A_398 = tpu.vector_load_idx %arg12[%scan3A_290] : memref<10000xf32, #tpu.memory_space<vmem>>[vector<16xi32>], vector<16xf32>,
        %gather3A_399 = tpu.vector_load_idx %arg13[%scan3A_290] : memref<10000xf32, #tpu.memory_space<vmem>>[vector<16xi32>], vector<16xf32>,
        %max3A = arith.maximumf %gather3A, %gather3A_396 : vector<16xf32>
        tpu.vector_store_idx %arg10[%scan3A_290], %max3A : memref<10000xf32, #tpu.memory_space<vmem>>[vector<16xi32>], vector<16xf32>,
        %max3A_400 = arith.maximumf %gather3A_377, %gather3A_397 : vector<16xf32>
        tpu.vector_store_idx %arg11[%scan3A_290], %max3A_400 : memref<10000xf32, #tpu.memory_space<vmem>>[vector<16xi32>], vector<16xf32>,
        %max3A_401 = arith.maximumf %gather3A_378, %gather3A_398 : vector<16xf32>
        tpu.vector_store_idx %arg12[%scan3A_290], %max3A_401 : memref<10000xf32, #tpu.memory_space<vmem>>[vector<16xi32>], vector<16xf32>,
        %max3A_402 = arith.maximumf %gather3A_379, %gather3A_399 : vector<16xf32>
        tpu.vector_store_idx %arg13[%scan3A_290], %max3A_402 : memref<10000xf32, #tpu.memory_space<vmem>>[vector<16xi32>], vector<16xf32>,
        %convert_element_type3A = arith.extui %or3A : vector<16xi1> to vector<16xi32>
        %broadcast_in_dim3A_403 = arith.constant true
        %broadcast_in_dim3A_404 = vector.broadcast %broadcast_in_dim3A_403 : i1 to vector<16xi1>
        %masked_cumsum3A = tpu.scan <sum>, %convert_element_type3A masked %broadcast_in_dim3A_404 : vector<16xi32>, vector<16xi1> -> vector<16xi32>
        %add3A_405 = arith.addi %scan3A_285, %masked_cumsum3A : vector<16xi32>
        %sub3A_406 = arith.constant 1 : i32
        %sub3A_407 = vector.broadcast %sub3A_406 : i32 to vector<16xi32>
        %sub3A_408 = arith.subi %add3A_405, %sub3A_407 : vector<16xi32>
        tpu.vector_store_idx %arg18[%sub3A_408], %scan3A_286 masked %or3A : memref<8000xi32, #tpu.memory_space<vmem>>[vector<16xi32>], vector<16xi32>, vector<16xi1>
        tpu.vector_store_idx %arg19[%sub3A_408], %scan3A_290 masked %or3A : memref<8000xi32, #tpu.memory_space<vmem>>[vector<16xi32>], vector<16xi32>, vector<16xi1>
        %all_reduce_population_count3A = tpu.all_reduce %or3A {dim = 0 : i64, kind = #tpu.reduction_kind<sum>} : vector<16xi1> -> vector<16xi32>
        %add3A_409 = arith.addi %scan3A_285, %all_reduce_population_count3A : vector<16xi32>
        %ne3A_410 = arith.constant 1 : i32
        %ne3A_411 = vector.broadcast %ne3A_410 : i32 to vector<16xi32>
        %ne3A_412 = arith.cmpi ne, %unique3A_300, %ne3A_411 : vector<16xi32>
        %not3A_413 = arith.constant dense<true> : vector<16xi1>
        %not3A_414 = arith.xori %unique3A_299, %not3A_413 : vector<16xi1>
        %or3A_415 = arith.ori %ne3A_412, %not3A_414 : vector<16xi1>
        %gather3A_416 = tpu.vector_load_idx %arg10[%scan3A_291] : memref<10000xf32, #tpu.memory_space<vmem>>[vector<16xi32>], vector<16xf32>,
        %gather3A_417 = tpu.vector_load_idx %arg11[%scan3A_291] : memref<10000xf32, #tpu.memory_space<vmem>>[vector<16xi32>], vector<16xf32>,
        %gather3A_418 = tpu.vector_load_idx %arg12[%scan3A_291] : memref<10000xf32, #tpu.memory_space<vmem>>[vector<16xi32>], vector<16xf32>,
        %gather3A_419 = tpu.vector_load_idx %arg13[%scan3A_291] : memref<10000xf32, #tpu.memory_space<vmem>>[vector<16xi32>], vector<16xf32>,
        %max3A_420 = arith.maximumf %gather3A_380, %gather3A_416 : vector<16xf32>
        tpu.vector_store_idx %arg10[%scan3A_291], %max3A_420 : memref<10000xf32, #tpu.memory_space<vmem>>[vector<16xi32>], vector<16xf32>,
        %max3A_421 = arith.maximumf %gather3A_381, %gather3A_417 : vector<16xf32>
        tpu.vector_store_idx %arg11[%scan3A_291], %max3A_421 : memref<10000xf32, #tpu.memory_space<vmem>>[vector<16xi32>], vector<16xf32>,
        %max3A_422 = arith.maximumf %gather3A_382, %gather3A_418 : vector<16xf32>
        tpu.vector_store_idx %arg12[%scan3A_291], %max3A_422 : memref<10000xf32, #tpu.memory_space<vmem>>[vector<16xi32>], vector<16xf32>,
        %max3A_423 = arith.maximumf %gather3A_383, %gather3A_419 : vector<16xf32>
        tpu.vector_store_idx %arg13[%scan3A_291], %max3A_423 : memref<10000xf32, #tpu.memory_space<vmem>>[vector<16xi32>], vector<16xf32>,
        %convert_element_type3A_424 = arith.extui %or3A_415 : vector<16xi1> to vector<16xi32>
        %broadcast_in_dim3A_425 = arith.constant true
        %broadcast_in_dim3A_426 = vector.broadcast %broadcast_in_dim3A_425 : i1 to vector<16xi1>
        %masked_cumsum3A_427 = tpu.scan <sum>, %convert_element_type3A_424 masked %broadcast_in_dim3A_426 : vector<16xi32>, vector<16xi1> -> vector<16xi32>
        %add3A_428 = arith.addi %add3A_409, %masked_cumsum3A_427 : vector<16xi32>
        %sub3A_429 = arith.constant 1 : i32
        %sub3A_430 = vector.broadcast %sub3A_429 : i32 to vector<16xi32>
        %sub3A_431 = arith.subi %add3A_428, %sub3A_430 : vector<16xi32>
        tpu.vector_store_idx %arg18[%sub3A_431], %scan3A_287 masked %or3A_415 : memref<8000xi32, #tpu.memory_space<vmem>>[vector<16xi32>], vector<16xi32>, vector<16xi1>
        tpu.vector_store_idx %arg19[%sub3A_431], %scan3A_291 masked %or3A_415 : memref<8000xi32, #tpu.memory_space<vmem>>[vector<16xi32>], vector<16xi32>, vector<16xi1>
        %all_reduce_population_count3A_432 = tpu.all_reduce %or3A_415 {dim = 0 : i64, kind = #tpu.reduction_kind<sum>} : vector<16xi1> -> vector<16xi32>
        %add3A_433 = arith.addi %add3A_409, %all_reduce_population_count3A_432 : vector<16xi32>
        %ne3A_434 = arith.constant 1 : i32
        %ne3A_435 = vector.broadcast %ne3A_434 : i32 to vector<16xi32>
        %ne3A_436 = arith.cmpi ne, %unique3A_304, %ne3A_435 : vector<16xi32>
        %not3A_437 = arith.constant dense<true> : vector<16xi1>
        %not3A_438 = arith.xori %unique3A_303, %not3A_437 : vector<16xi1>
        %or3A_439 = arith.ori %ne3A_436, %not3A_438 : vector<16xi1>
        %gather3A_440 = tpu.vector_load_idx %arg10[%scan3A_292] : memref<10000xf32, #tpu.memory_space<vmem>>[vector<16xi32>], vector<16xf32>,
        %gather3A_441 = tpu.vector_load_idx %arg11[%scan3A_292] : memref<10000xf32, #tpu.memory_space<vmem>>[vector<16xi32>], vector<16xf32>,
        %gather3A_442 = tpu.vector_load_idx %arg12[%scan3A_292] : memref<10000xf32, #tpu.memory_space<vmem>>[vector<16xi32>], vector<16xf32>,
        %gather3A_443 = tpu.vector_load_idx %arg13[%scan3A_292] : memref<10000xf32, #tpu.memory_space<vmem>>[vector<16xi32>], vector<16xf32>,
        %max3A_444 = arith.maximumf %gather3A_384, %gather3A_440 : vector<16xf32>
        tpu.vector_store_idx %arg10[%scan3A_292], %max3A_444 : memref<10000xf32, #tpu.memory_space<vmem>>[vector<16xi32>], vector<16xf32>,
        %max3A_445 = arith.maximumf %gather3A_385, %gather3A_441 : vector<16xf32>
        tpu.vector_store_idx %arg11[%scan3A_292], %max3A_445 : memref<10000xf32, #tpu.memory_space<vmem>>[vector<16xi32>], vector<16xf32>,
        %max3A_446 = arith.maximumf %gather3A_386, %gather3A_442 : vector<16xf32>
        tpu.vector_store_idx %arg12[%scan3A_292], %max3A_446 : memref<10000xf32, #tpu.memory_space<vmem>>[vector<16xi32>], vector<16xf32>,
        %max3A_447 = arith.maximumf %gather3A_387, %gather3A_443 : vector<16xf32>
        tpu.vector_store_idx %arg13[%scan3A_292], %max3A_447 : memref<10000xf32, #tpu.memory_space<vmem>>[vector<16xi32>], vector<16xf32>,
        %convert_element_type3A_448 = arith.extui %or3A_439 : vector<16xi1> to vector<16xi32>
        %broadcast_in_dim3A_449 = arith.constant true
        %broadcast_in_dim3A_450 = vector.broadcast %broadcast_in_dim3A_449 : i1 to vector<16xi1>
        %masked_cumsum3A_451 = tpu.scan <sum>, %convert_element_type3A_448 masked %broadcast_in_dim3A_450 : vector<16xi32>, vector<16xi1> -> vector<16xi32>
        %add3A_452 = arith.addi %add3A_433, %masked_cumsum3A_451 : vector<16xi32>
        %sub3A_453 = arith.constant 1 : i32
        %sub3A_454 = vector.broadcast %sub3A_453 : i32 to vector<16xi32>
        %sub3A_455 = arith.subi %add3A_452, %sub3A_454 : vector<16xi32>
        tpu.vector_store_idx %arg18[%sub3A_455], %scan3A_288 masked %or3A_439 : memref<8000xi32, #tpu.memory_space<vmem>>[vector<16xi32>], vector<16xi32>, vector<16xi1>
        tpu.vector_store_idx %arg19[%sub3A_455], %scan3A_292 masked %or3A_439 : memref<8000xi32, #tpu.memory_space<vmem>>[vector<16xi32>], vector<16xi32>, vector<16xi1>
        %all_reduce_population_count3A_456 = tpu.all_reduce %or3A_439 {dim = 0 : i64, kind = #tpu.reduction_kind<sum>} : vector<16xi1> -> vector<16xi32>
        %add3A_457 = arith.addi %add3A_433, %all_reduce_population_count3A_456 : vector<16xi32>
        %ne3A_458 = arith.constant 1 : i32
        %ne3A_459 = vector.broadcast %ne3A_458 : i32 to vector<16xi32>
        %ne3A_460 = arith.cmpi ne, %unique3A_308, %ne3A_459 : vector<16xi32>
        %not3A_461 = arith.constant dense<true> : vector<16xi1>
        %not3A_462 = arith.xori %unique3A_307, %not3A_461 : vector<16xi1>
        %or3A_463 = arith.ori %ne3A_460, %not3A_462 : vector<16xi1>
        %gather3A_464 = tpu.vector_load_idx %arg10[%scan3A_293] : memref<10000xf32, #tpu.memory_space<vmem>>[vector<16xi32>], vector<16xf32>,
        %gather3A_465 = tpu.vector_load_idx %arg11[%scan3A_293] : memref<10000xf32, #tpu.memory_space<vmem>>[vector<16xi32>], vector<16xf32>,
        %gather3A_466 = tpu.vector_load_idx %arg12[%scan3A_293] : memref<10000xf32, #tpu.memory_space<vmem>>[vector<16xi32>], vector<16xf32>,
        %gather3A_467 = tpu.vector_load_idx %arg13[%scan3A_293] : memref<10000xf32, #tpu.memory_space<vmem>>[vector<16xi32>], vector<16xf32>,
        %max3A_468 = arith.maximumf %gather3A_388, %gather3A_464 : vector<16xf32>
        tpu.vector_store_idx %arg10[%scan3A_293], %max3A_468 : memref<10000xf32, #tpu.memory_space<vmem>>[vector<16xi32>], vector<16xf32>,
        %max3A_469 = arith.maximumf %gather3A_389, %gather3A_465 : vector<16xf32>
        tpu.vector_store_idx %arg11[%scan3A_293], %max3A_469 : memref<10000xf32, #tpu.memory_space<vmem>>[vector<16xi32>], vector<16xf32>,
        %max3A_470 = arith.maximumf %gather3A_390, %gather3A_466 : vector<16xf32>
        tpu.vector_store_idx %arg12[%scan3A_293], %max3A_470 : memref<10000xf32, #tpu.memory_space<vmem>>[vector<16xi32>], vector<16xf32>,
        %max3A_471 = arith.maximumf %gather3A_391, %gather3A_467 : vector<16xf32>
        tpu.vector_store_idx %arg13[%scan3A_293], %max3A_471 : memref<10000xf32, #tpu.memory_space<vmem>>[vector<16xi32>], vector<16xf32>,
        %convert_element_type3A_472 = arith.extui %or3A_463 : vector<16xi1> to vector<16xi32>
        %broadcast_in_dim3A_473 = arith.constant true
        %broadcast_in_dim3A_474 = vector.broadcast %broadcast_in_dim3A_473 : i1 to vector<16xi1>
        %masked_cumsum3A_475 = tpu.scan <sum>, %convert_element_type3A_472 masked %broadcast_in_dim3A_474 : vector<16xi32>, vector<16xi1> -> vector<16xi32>
        %add3A_476 = arith.addi %add3A_457, %masked_cumsum3A_475 : vector<16xi32>
        %sub3A_477 = arith.constant 1 : i32
        %sub3A_478 = vector.broadcast %sub3A_477 : i32 to vector<16xi32>
        %sub3A_479 = arith.subi %add3A_476, %sub3A_478 : vector<16xi32>
        tpu.vector_store_idx %arg18[%sub3A_479], %scan3A_289 masked %or3A_463 : memref<8000xi32, #tpu.memory_space<vmem>>[vector<16xi32>], vector<16xi32>, vector<16xi1>
        tpu.vector_store_idx %arg19[%sub3A_479], %scan3A_293 masked %or3A_463 : memref<8000xi32, #tpu.memory_space<vmem>>[vector<16xi32>], vector<16xi32>, vector<16xi1>
        %all_reduce_population_count3A_480 = tpu.all_reduce %or3A_463 {dim = 0 : i64, kind = #tpu.reduction_kind<sum>} : vector<16xi1> -> vector<16xi32>
        %add3A_481 = arith.addi %add3A_457, %all_reduce_population_count3A_480 : vector<16xi32>
        scf.yield %add3A_481, %get3A_320, %get3A_328, %get3A_336, %get3A_344, %get3A_352, %get3A_360, %get3A_368, %get3A_376 : vector<16xi32>, vector<16xi32>, vector<16xi32>, vector<16xi32>, vector<16xi32>, vector<16xi32>, vector<16xi32>, vector<16xi32>, vector<16xi32>
      }
      %scan3A_236 = arith.constant 125 : i32
      %reduce_max3A_237 = arith.constant true
      %reduce_max3A_238 = vector.broadcast %reduce_max3A_237 : i1 to vector<16xi1>
      %reduce_max3A_239 = arith.constant -2147483648 : i32
      %reduce_max3A_240 = vector.broadcast %reduce_max3A_239 : i32 to vector<16xi32>
      %reduce_max3A_241 = arith.xori %scan3A_235#0, %reduce_max3A_240 : vector<16xi32>
      %reduce_max3A_242 = tpu.scan <max>, %reduce_max3A_241 masked %reduce_max3A_238 : vector<16xi32>, vector<16xi1> -> vector<16xi32>
      %reduce_max3A_243 = arith.xori %reduce_max3A_242, %reduce_max3A_240 : vector<16xi32>
      %reduce_max3A_244 = vector.extract %reduce_max3A_243[15] : i32 from vector<16xi32>
      %add3A_245 = arith.constant 15 : i32
      %add3A_246 = arith.addi %reduce_max3A_244, %add3A_245 : i32
      %jit3A_247 = arith.constant 16 : i32
      %div3A_248 = arith.divsi %add3A_246, %jit3A_247 : i32
      %sign3A_249 = arith.constant 0 : i32
      %sign3A_250 = arith.cmpi sgt, %add3A_246, %sign3A_249 : i32
      %sign3A_251 = arith.extui %sign3A_250 : i1 to i32
      %sign3A_252 = arith.constant 0 : i32
      %sign3A_253 = arith.cmpi slt, %add3A_246, %sign3A_252 : i32
      %sign3A_254 = arith.extui %sign3A_253 : i1 to i32
      %sign3A_255 = arith.subi %sign3A_251, %sign3A_254 : i32
      %sign3A_256 = arith.constant 0 : i32
      %sign3A_257 = arith.cmpi sgt, %jit3A_247, %sign3A_256 : i32
      %sign3A_258 = arith.extui %sign3A_257 : i1 to i32
      %sign3A_259 = arith.constant 0 : i32
      %sign3A_260 = arith.cmpi slt, %jit3A_247, %sign3A_259 : i32
      %sign3A_261 = arith.extui %sign3A_260 : i1 to i32
      %sign3A_262 = arith.subi %sign3A_258, %sign3A_261 : i32
      %ne3A_263 = arith.cmpi ne, %sign3A_255, %sign3A_262 : i32
      %rem3A_264 = arith.remsi %add3A_246, %jit3A_247 : i32
      %ne3A_265 = arith.constant 0 : i32
      %ne3A_266 = arith.cmpi ne, %rem3A_264, %ne3A_265 : i32
      %and3A_267 = arith.andi %ne3A_263, %ne3A_266 : i1
      %sub3A_268 = arith.constant 1 : i32
      %sub3A_269 = arith.subi %div3A_248, %sub3A_268 : i32
      %select_n3A_270 = arith.select %and3A_267, %sub3A_269, %div3A_248 : i32
      %while3A_271 = arith.constant 0 : i32
      %while3A_272 = arith.constant 0 : i32
      %while3A_273 = arith.subi %select_n3A_270, %while3A_271 : i32
      %while3A_274 = arith.addi %while3A_271, %while3A_273 : i32
      %while3A_275 = arith.constant 1 : i32
      %while3A_276 = arith.divsi %while3A_273, %while3A_275 : i32
      %while3A_277 = arith.muli %while3A_276, %while3A_275 : i32
      %while3A_278 = arith.addi %while3A_271, %while3A_277 : i32
      %while3A_279 = arith.constant 1 : i32
      %while3A_280 = scf.for %while3A_284 = %while3A_271 to %while3A_278 step %while3A_279 iter_args(%while3A_285 = %while3A_272) -> (i32)  : i32 {
        %mul3A_286 = arith.constant 16 : i32
        %mul3A_287 = arith.muli %while3A_284, %mul3A_286 : i32
        %add3A_288 = vector.broadcast %mul3A_287 : i32 to vector<16xi32>
        %add3A_289 = arith.addi %add3A_288, %iota3A : vector<16xi32>
        %lt3A = arith.cmpi slt, %add3A_289, %scan3A_235#0 : vector<16xi32>
        %mul3A_290 = arith.constant 16 : i32
        %mul3A_291 = arith.muli %while3A_284, %mul3A_290 : i32
        %get3A_292 = arith.index_cast %mul3A_291 : i32 to index
        %get3A_293 = tpu.vector_load %arg18[%get3A_292] {strides = array<i32>} : memref<8000xi32, #tpu.memory_space<vmem>>, vector<16xi32>,
        %jit3A_294 = arith.constant 0 : i32
        %broadcast_in_dim3A_295 = vector.broadcast %jit3A_294 : i32 to vector<16xi32>
        %select_n3A_296 = arith.select %lt3A, %get3A_293, %broadcast_in_dim3A_295 : vector<16xi1>, vector<16xi32>
        %mul3A_297 = arith.constant 16 : i32
        %mul3A_298 = arith.muli %while3A_284, %mul3A_297 : i32
        %get3A_299 = arith.index_cast %mul3A_298 : i32 to index
        %get3A_300 = tpu.vector_load %arg19[%get3A_299] {strides = array<i32>} : memref<8000xi32, #tpu.memory_space<vmem>>, vector<16xi32>,
        %jit3A_301 = arith.constant 0 : i32
        %broadcast_in_dim3A_302 = vector.broadcast %jit3A_301 : i32 to vector<16xi32>
        %select_n3A_303 = arith.select %lt3A, %get3A_300, %broadcast_in_dim3A_302 : vector<16xi1>, vector<16xi32>
        %gather3A = tpu.vector_load_idx %arg6[%select_n3A_296] : memref<10000xf32, #tpu.memory_space<vmem>>[vector<16xi32>], vector<16xf32>,
        %gather3A_304 = tpu.vector_load_idx %arg10[%select_n3A_303] : memref<10000xf32, #tpu.memory_space<vmem>>[vector<16xi32>], vector<16xf32>,
        %max3A = arith.maximumf %gather3A, %gather3A_304 : vector<16xf32>
        %jit3A_305 = arith.constant -3.000000e+38 : f32
        %broadcast_in_dim3A_306 = vector.broadcast %jit3A_305 : f32 to vector<16xf32>
        %select_n3A_307 = arith.select %lt3A, %max3A, %broadcast_in_dim3A_306 : vector<16xi1>, vector<16xf32>
        tpu.vector_store_idx %arg10[%select_n3A_303], %select_n3A_307 masked %lt3A : memref<10000xf32, #tpu.memory_space<vmem>>[vector<16xi32>], vector<16xf32>, vector<16xi1>
        %gather3A_308 = tpu.vector_load_idx %arg10[%select_n3A_303] : memref<10000xf32, #tpu.memory_space<vmem>>[vector<16xi32>], vector<16xf32>,
        %while3A_309 = scf.while (%while3A_335 = %gather3A_308) : (vector<16xf32>) -> vector<16xf32> {
          %lt3A_336 = arith.cmpf olt, %while3A_335, %select_n3A_307 : vector<16xf32>
          %reduce_or3A = arith.constant 1.000000e+00 : f32
          %reduce_or3A_337 = arith.constant 0.000000e+00 : f32
          %reduce_or3A_338 = vector.broadcast %reduce_or3A : f32 to vector<16xf32>
          %reduce_or3A_339 = vector.broadcast %reduce_or3A_337 : f32 to vector<16xf32>
          %reduce_or3A_340 = arith.select %lt3A_336, %reduce_or3A_338, %reduce_or3A_339 : vector<16xi1>, vector<16xf32>
          %reduce_or3A_341 = arith.constant true
          %reduce_or3A_342 = vector.broadcast %reduce_or3A_341 : i1 to vector<16xi1>
          %reduce_or3A_343 = tpu.scan <max>, %reduce_or3A_340 masked %reduce_or3A_342 : vector<16xf32>, vector<16xi1> -> vector<16xf32>
          %reduce_or3A_344 = vector.extract %reduce_or3A_343[15] : f32 from vector<16xf32>
          %reduce_or3A_345 = arith.constant 0.000000e+00 : f32
          %reduce_or3A_346 = arith.cmpf ogt, %reduce_or3A_344, %reduce_or3A_345 : f32
          scf.condition(%reduce_or3A_346) %while3A_335 : vector<16xf32>
        } do {
        ^bb0(%while3A_335: vector<16xf32>):
          %lt3A_336 = arith.cmpf olt, %while3A_335, %select_n3A_307 : vector<16xf32>
          tpu.vector_store_idx %arg10[%select_n3A_303], %select_n3A_307 masked %lt3A_336 : memref<10000xf32, #tpu.memory_space<vmem>>[vector<16xi32>], vector<16xf32>, vector<16xi1>
          %gather3A_337 = tpu.vector_load_idx %arg10[%select_n3A_303] : memref<10000xf32, #tpu.memory_space<vmem>>[vector<16xi32>], vector<16xf32>,
          scf.yield %gather3A_337 : vector<16xf32>
        }
        %gather3A_310 = tpu.vector_load_idx %arg7[%select_n3A_296] : memref<10000xf32, #tpu.memory_space<vmem>>[vector<16xi32>], vector<16xf32>,
        %gather3A_311 = tpu.vector_load_idx %arg11[%select_n3A_303] : memref<10000xf32, #tpu.memory_space<vmem>>[vector<16xi32>], vector<16xf32>,
        %max3A_312 = arith.maximumf %gather3A_310, %gather3A_311 : vector<16xf32>
        %jit3A_313 = arith.constant -3.000000e+38 : f32
        %broadcast_in_dim3A_314 = vector.broadcast %jit3A_313 : f32 to vector<16xf32>
        %select_n3A_315 = arith.select %lt3A, %max3A_312, %broadcast_in_dim3A_314 : vector<16xi1>, vector<16xf32>
        tpu.vector_store_idx %arg11[%select_n3A_303], %select_n3A_315 masked %lt3A : memref<10000xf32, #tpu.memory_space<vmem>>[vector<16xi32>], vector<16xf32>, vector<16xi1>
        %gather3A_316 = tpu.vector_load_idx %arg11[%select_n3A_303] : memref<10000xf32, #tpu.memory_space<vmem>>[vector<16xi32>], vector<16xf32>,
        %while3A_317 = scf.while (%while3A_335 = %gather3A_316) : (vector<16xf32>) -> vector<16xf32> {
          %lt3A_336 = arith.cmpf olt, %while3A_335, %select_n3A_315 : vector<16xf32>
          %reduce_or3A = arith.constant 1.000000e+00 : f32
          %reduce_or3A_337 = arith.constant 0.000000e+00 : f32
          %reduce_or3A_338 = vector.broadcast %reduce_or3A : f32 to vector<16xf32>
          %reduce_or3A_339 = vector.broadcast %reduce_or3A_337 : f32 to vector<16xf32>
          %reduce_or3A_340 = arith.select %lt3A_336, %reduce_or3A_338, %reduce_or3A_339 : vector<16xi1>, vector<16xf32>
          %reduce_or3A_341 = arith.constant true
          %reduce_or3A_342 = vector.broadcast %reduce_or3A_341 : i1 to vector<16xi1>
          %reduce_or3A_343 = tpu.scan <max>, %reduce_or3A_340 masked %reduce_or3A_342 : vector<16xf32>, vector<16xi1> -> vector<16xf32>
          %reduce_or3A_344 = vector.extract %reduce_or3A_343[15] : f32 from vector<16xf32>
          %reduce_or3A_345 = arith.constant 0.000000e+00 : f32
          %reduce_or3A_346 = arith.cmpf ogt, %reduce_or3A_344, %reduce_or3A_345 : f32
          scf.condition(%reduce_or3A_346) %while3A_335 : vector<16xf32>
        } do {
        ^bb0(%while3A_335: vector<16xf32>):
          %lt3A_336 = arith.cmpf olt, %while3A_335, %select_n3A_315 : vector<16xf32>
          tpu.vector_store_idx %arg11[%select_n3A_303], %select_n3A_315 masked %lt3A_336 : memref<10000xf32, #tpu.memory_space<vmem>>[vector<16xi32>], vector<16xf32>, vector<16xi1>
          %gather3A_337 = tpu.vector_load_idx %arg11[%select_n3A_303] : memref<10000xf32, #tpu.memory_space<vmem>>[vector<16xi32>], vector<16xf32>,
          scf.yield %gather3A_337 : vector<16xf32>
        }
        %gather3A_318 = tpu.vector_load_idx %arg8[%select_n3A_296] : memref<10000xf32, #tpu.memory_space<vmem>>[vector<16xi32>], vector<16xf32>,
        %gather3A_319 = tpu.vector_load_idx %arg12[%select_n3A_303] : memref<10000xf32, #tpu.memory_space<vmem>>[vector<16xi32>], vector<16xf32>,
        %max3A_320 = arith.maximumf %gather3A_318, %gather3A_319 : vector<16xf32>
        %jit3A_321 = arith.constant -3.000000e+38 : f32
        %broadcast_in_dim3A_322 = vector.broadcast %jit3A_321 : f32 to vector<16xf32>
        %select_n3A_323 = arith.select %lt3A, %max3A_320, %broadcast_in_dim3A_322 : vector<16xi1>, vector<16xf32>
        tpu.vector_store_idx %arg12[%select_n3A_303], %select_n3A_323 masked %lt3A : memref<10000xf32, #tpu.memory_space<vmem>>[vector<16xi32>], vector<16xf32>, vector<16xi1>
        %gather3A_324 = tpu.vector_load_idx %arg12[%select_n3A_303] : memref<10000xf32, #tpu.memory_space<vmem>>[vector<16xi32>], vector<16xf32>,
        %while3A_325 = scf.while (%while3A_335 = %gather3A_324) : (vector<16xf32>) -> vector<16xf32> {
          %lt3A_336 = arith.cmpf olt, %while3A_335, %select_n3A_323 : vector<16xf32>
          %reduce_or3A = arith.constant 1.000000e+00 : f32
          %reduce_or3A_337 = arith.constant 0.000000e+00 : f32
          %reduce_or3A_338 = vector.broadcast %reduce_or3A : f32 to vector<16xf32>
          %reduce_or3A_339 = vector.broadcast %reduce_or3A_337 : f32 to vector<16xf32>
          %reduce_or3A_340 = arith.select %lt3A_336, %reduce_or3A_338, %reduce_or3A_339 : vector<16xi1>, vector<16xf32>
          %reduce_or3A_341 = arith.constant true
          %reduce_or3A_342 = vector.broadcast %reduce_or3A_341 : i1 to vector<16xi1>
          %reduce_or3A_343 = tpu.scan <max>, %reduce_or3A_340 masked %reduce_or3A_342 : vector<16xf32>, vector<16xi1> -> vector<16xf32>
          %reduce_or3A_344 = vector.extract %reduce_or3A_343[15] : f32 from vector<16xf32>
          %reduce_or3A_345 = arith.constant 0.000000e+00 : f32
          %reduce_or3A_346 = arith.cmpf ogt, %reduce_or3A_344, %reduce_or3A_345 : f32
          scf.condition(%reduce_or3A_346) %while3A_335 : vector<16xf32>
        } do {
        ^bb0(%while3A_335: vector<16xf32>):
          %lt3A_336 = arith.cmpf olt, %while3A_335, %select_n3A_323 : vector<16xf32>
          tpu.vector_store_idx %arg12[%select_n3A_303], %select_n3A_323 masked %lt3A_336 : memref<10000xf32, #tpu.memory_space<vmem>>[vector<16xi32>], vector<16xf32>, vector<16xi1>
          %gather3A_337 = tpu.vector_load_idx %arg12[%select_n3A_303] : memref<10000xf32, #tpu.memory_space<vmem>>[vector<16xi32>], vector<16xf32>,
          scf.yield %gather3A_337 : vector<16xf32>
        }
        %gather3A_326 = tpu.vector_load_idx %arg9[%select_n3A_296] : memref<10000xf32, #tpu.memory_space<vmem>>[vector<16xi32>], vector<16xf32>,
        %gather3A_327 = tpu.vector_load_idx %arg13[%select_n3A_303] : memref<10000xf32, #tpu.memory_space<vmem>>[vector<16xi32>], vector<16xf32>,
        %max3A_328 = arith.maximumf %gather3A_326, %gather3A_327 : vector<16xf32>
        %jit3A_329 = arith.constant -3.000000e+38 : f32
        %broadcast_in_dim3A_330 = vector.broadcast %jit3A_329 : f32 to vector<16xf32>
        %select_n3A_331 = arith.select %lt3A, %max3A_328, %broadcast_in_dim3A_330 : vector<16xi1>, vector<16xf32>
        tpu.vector_store_idx %arg13[%select_n3A_303], %select_n3A_331 masked %lt3A : memref<10000xf32, #tpu.memory_space<vmem>>[vector<16xi32>], vector<16xf32>, vector<16xi1>
        %gather3A_332 = tpu.vector_load_idx %arg13[%select_n3A_303] : memref<10000xf32, #tpu.memory_space<vmem>>[vector<16xi32>], vector<16xf32>,
        %while3A_333 = scf.while (%while3A_335 = %gather3A_332) : (vector<16xf32>) -> vector<16xf32> {
          %lt3A_336 = arith.cmpf olt, %while3A_335, %select_n3A_331 : vector<16xf32>
          %reduce_or3A = arith.constant 1.000000e+00 : f32
          %reduce_or3A_337 = arith.constant 0.000000e+00 : f32
          %reduce_or3A_338 = vector.broadcast %reduce_or3A : f32 to vector<16xf32>
          %reduce_or3A_339 = vector.broadcast %reduce_or3A_337 : f32 to vector<16xf32>
          %reduce_or3A_340 = arith.select %lt3A_336, %reduce_or3A_338, %reduce_or3A_339 : vector<16xi1>, vector<16xf32>
          %reduce_or3A_341 = arith.constant true
          %reduce_or3A_342 = vector.broadcast %reduce_or3A_341 : i1 to vector<16xi1>
          %reduce_or3A_343 = tpu.scan <max>, %reduce_or3A_340 masked %reduce_or3A_342 : vector<16xf32>, vector<16xi1> -> vector<16xf32>
          %reduce_or3A_344 = vector.extract %reduce_or3A_343[15] : f32 from vector<16xf32>
          %reduce_or3A_345 = arith.constant 0.000000e+00 : f32
          %reduce_or3A_346 = arith.cmpf ogt, %reduce_or3A_344, %reduce_or3A_345 : f32
          scf.condition(%reduce_or3A_346) %while3A_335 : vector<16xf32>
        } do {
        ^bb0(%while3A_335: vector<16xf32>):
          %lt3A_336 = arith.cmpf olt, %while3A_335, %select_n3A_331 : vector<16xf32>
          tpu.vector_store_idx %arg13[%select_n3A_303], %select_n3A_331 masked %lt3A_336 : memref<10000xf32, #tpu.memory_space<vmem>>[vector<16xi32>], vector<16xf32>, vector<16xi1>
          %gather3A_337 = tpu.vector_load_idx %arg13[%select_n3A_303] : memref<10000xf32, #tpu.memory_space<vmem>>[vector<16xi32>], vector<16xf32>,
          scf.yield %gather3A_337 : vector<16xf32>
        }
        %while3A_334 = arith.constant 0 : i32
        scf.yield %while3A_334 : i32
      }
      %while3A_281 = arith.constant 1 : i32
      %while3A_282 = scf.for %while3A_284 = %while3A_278 to %while3A_274 step %while3A_281 iter_args(%while3A_285 = %while3A_280) -> (i32)  : i32 {
        %mul3A_286 = arith.constant 16 : i32
        %mul3A_287 = arith.muli %while3A_284, %mul3A_286 : i32
        %add3A_288 = vector.broadcast %mul3A_287 : i32 to vector<16xi32>
        %add3A_289 = arith.addi %add3A_288, %iota3A : vector<16xi32>
        %lt3A = arith.cmpi slt, %add3A_289, %scan3A_235#0 : vector<16xi32>
        %mul3A_290 = arith.constant 16 : i32
        %mul3A_291 = arith.muli %while3A_284, %mul3A_290 : i32
        %get3A_292 = arith.index_cast %mul3A_291 : i32 to index
        %get3A_293 = tpu.vector_load %arg18[%get3A_292] {strides = array<i32>} : memref<8000xi32, #tpu.memory_space<vmem>>, vector<16xi32>,
        %jit3A_294 = arith.constant 0 : i32
        %broadcast_in_dim3A_295 = vector.broadcast %jit3A_294 : i32 to vector<16xi32>
        %select_n3A_296 = arith.select %lt3A, %get3A_293, %broadcast_in_dim3A_295 : vector<16xi1>, vector<16xi32>
        %mul3A_297 = arith.constant 16 : i32
        %mul3A_298 = arith.muli %while3A_284, %mul3A_297 : i32
        %get3A_299 = arith.index_cast %mul3A_298 : i32 to index
        %get3A_300 = tpu.vector_load %arg19[%get3A_299] {strides = array<i32>} : memref<8000xi32, #tpu.memory_space<vmem>>, vector<16xi32>,
        %jit3A_301 = arith.constant 0 : i32
        %broadcast_in_dim3A_302 = vector.broadcast %jit3A_301 : i32 to vector<16xi32>
        %select_n3A_303 = arith.select %lt3A, %get3A_300, %broadcast_in_dim3A_302 : vector<16xi1>, vector<16xi32>
        %gather3A = tpu.vector_load_idx %arg6[%select_n3A_296] : memref<10000xf32, #tpu.memory_space<vmem>>[vector<16xi32>], vector<16xf32>,
        %gather3A_304 = tpu.vector_load_idx %arg10[%select_n3A_303] : memref<10000xf32, #tpu.memory_space<vmem>>[vector<16xi32>], vector<16xf32>,
        %max3A = arith.maximumf %gather3A, %gather3A_304 : vector<16xf32>
        %jit3A_305 = arith.constant -3.000000e+38 : f32
        %broadcast_in_dim3A_306 = vector.broadcast %jit3A_305 : f32 to vector<16xf32>
        %select_n3A_307 = arith.select %lt3A, %max3A, %broadcast_in_dim3A_306 : vector<16xi1>, vector<16xf32>
        tpu.vector_store_idx %arg10[%select_n3A_303], %select_n3A_307 masked %lt3A : memref<10000xf32, #tpu.memory_space<vmem>>[vector<16xi32>], vector<16xf32>, vector<16xi1>
        %gather3A_308 = tpu.vector_load_idx %arg10[%select_n3A_303] : memref<10000xf32, #tpu.memory_space<vmem>>[vector<16xi32>], vector<16xf32>,
        %while3A_309 = scf.while (%while3A_335 = %gather3A_308) : (vector<16xf32>) -> vector<16xf32> {
          %lt3A_336 = arith.cmpf olt, %while3A_335, %select_n3A_307 : vector<16xf32>
          %reduce_or3A = arith.constant 1.000000e+00 : f32
          %reduce_or3A_337 = arith.constant 0.000000e+00 : f32
          %reduce_or3A_338 = vector.broadcast %reduce_or3A : f32 to vector<16xf32>
          %reduce_or3A_339 = vector.broadcast %reduce_or3A_337 : f32 to vector<16xf32>
          %reduce_or3A_340 = arith.select %lt3A_336, %reduce_or3A_338, %reduce_or3A_339 : vector<16xi1>, vector<16xf32>
          %reduce_or3A_341 = arith.constant true
          %reduce_or3A_342 = vector.broadcast %reduce_or3A_341 : i1 to vector<16xi1>
          %reduce_or3A_343 = tpu.scan <max>, %reduce_or3A_340 masked %reduce_or3A_342 : vector<16xf32>, vector<16xi1> -> vector<16xf32>
          %reduce_or3A_344 = vector.extract %reduce_or3A_343[15] : f32 from vector<16xf32>
          %reduce_or3A_345 = arith.constant 0.000000e+00 : f32
          %reduce_or3A_346 = arith.cmpf ogt, %reduce_or3A_344, %reduce_or3A_345 : f32
          scf.condition(%reduce_or3A_346) %while3A_335 : vector<16xf32>
        } do {
        ^bb0(%while3A_335: vector<16xf32>):
          %lt3A_336 = arith.cmpf olt, %while3A_335, %select_n3A_307 : vector<16xf32>
          tpu.vector_store_idx %arg10[%select_n3A_303], %select_n3A_307 masked %lt3A_336 : memref<10000xf32, #tpu.memory_space<vmem>>[vector<16xi32>], vector<16xf32>, vector<16xi1>
          %gather3A_337 = tpu.vector_load_idx %arg10[%select_n3A_303] : memref<10000xf32, #tpu.memory_space<vmem>>[vector<16xi32>], vector<16xf32>,
          scf.yield %gather3A_337 : vector<16xf32>
        }
        %gather3A_310 = tpu.vector_load_idx %arg7[%select_n3A_296] : memref<10000xf32, #tpu.memory_space<vmem>>[vector<16xi32>], vector<16xf32>,
        %gather3A_311 = tpu.vector_load_idx %arg11[%select_n3A_303] : memref<10000xf32, #tpu.memory_space<vmem>>[vector<16xi32>], vector<16xf32>,
        %max3A_312 = arith.maximumf %gather3A_310, %gather3A_311 : vector<16xf32>
        %jit3A_313 = arith.constant -3.000000e+38 : f32
        %broadcast_in_dim3A_314 = vector.broadcast %jit3A_313 : f32 to vector<16xf32>
        %select_n3A_315 = arith.select %lt3A, %max3A_312, %broadcast_in_dim3A_314 : vector<16xi1>, vector<16xf32>
        tpu.vector_store_idx %arg11[%select_n3A_303], %select_n3A_315 masked %lt3A : memref<10000xf32, #tpu.memory_space<vmem>>[vector<16xi32>], vector<16xf32>, vector<16xi1>
        %gather3A_316 = tpu.vector_load_idx %arg11[%select_n3A_303] : memref<10000xf32, #tpu.memory_space<vmem>>[vector<16xi32>], vector<16xf32>,
        %while3A_317 = scf.while (%while3A_335 = %gather3A_316) : (vector<16xf32>) -> vector<16xf32> {
          %lt3A_336 = arith.cmpf olt, %while3A_335, %select_n3A_315 : vector<16xf32>
          %reduce_or3A = arith.constant 1.000000e+00 : f32
          %reduce_or3A_337 = arith.constant 0.000000e+00 : f32
          %reduce_or3A_338 = vector.broadcast %reduce_or3A : f32 to vector<16xf32>
          %reduce_or3A_339 = vector.broadcast %reduce_or3A_337 : f32 to vector<16xf32>
          %reduce_or3A_340 = arith.select %lt3A_336, %reduce_or3A_338, %reduce_or3A_339 : vector<16xi1>, vector<16xf32>
          %reduce_or3A_341 = arith.constant true
          %reduce_or3A_342 = vector.broadcast %reduce_or3A_341 : i1 to vector<16xi1>
          %reduce_or3A_343 = tpu.scan <max>, %reduce_or3A_340 masked %reduce_or3A_342 : vector<16xf32>, vector<16xi1> -> vector<16xf32>
          %reduce_or3A_344 = vector.extract %reduce_or3A_343[15] : f32 from vector<16xf32>
          %reduce_or3A_345 = arith.constant 0.000000e+00 : f32
          %reduce_or3A_346 = arith.cmpf ogt, %reduce_or3A_344, %reduce_or3A_345 : f32
          scf.condition(%reduce_or3A_346) %while3A_335 : vector<16xf32>
        } do {
        ^bb0(%while3A_335: vector<16xf32>):
          %lt3A_336 = arith.cmpf olt, %while3A_335, %select_n3A_315 : vector<16xf32>
          tpu.vector_store_idx %arg11[%select_n3A_303], %select_n3A_315 masked %lt3A_336 : memref<10000xf32, #tpu.memory_space<vmem>>[vector<16xi32>], vector<16xf32>, vector<16xi1>
          %gather3A_337 = tpu.vector_load_idx %arg11[%select_n3A_303] : memref<10000xf32, #tpu.memory_space<vmem>>[vector<16xi32>], vector<16xf32>,
          scf.yield %gather3A_337 : vector<16xf32>
        }
        %gather3A_318 = tpu.vector_load_idx %arg8[%select_n3A_296] : memref<10000xf32, #tpu.memory_space<vmem>>[vector<16xi32>], vector<16xf32>,
        %gather3A_319 = tpu.vector_load_idx %arg12[%select_n3A_303] : memref<10000xf32, #tpu.memory_space<vmem>>[vector<16xi32>], vector<16xf32>,
        %max3A_320 = arith.maximumf %gather3A_318, %gather3A_319 : vector<16xf32>
        %jit3A_321 = arith.constant -3.000000e+38 : f32
        %broadcast_in_dim3A_322 = vector.broadcast %jit3A_321 : f32 to vector<16xf32>
        %select_n3A_323 = arith.select %lt3A, %max3A_320, %broadcast_in_dim3A_322 : vector<16xi1>, vector<16xf32>
        tpu.vector_store_idx %arg12[%select_n3A_303], %select_n3A_323 masked %lt3A : memref<10000xf32, #tpu.memory_space<vmem>>[vector<16xi32>], vector<16xf32>, vector<16xi1>
        %gather3A_324 = tpu.vector_load_idx %arg12[%select_n3A_303] : memref<10000xf32, #tpu.memory_space<vmem>>[vector<16xi32>], vector<16xf32>,
        %while3A_325 = scf.while (%while3A_335 = %gather3A_324) : (vector<16xf32>) -> vector<16xf32> {
          %lt3A_336 = arith.cmpf olt, %while3A_335, %select_n3A_323 : vector<16xf32>
          %reduce_or3A = arith.constant 1.000000e+00 : f32
          %reduce_or3A_337 = arith.constant 0.000000e+00 : f32
          %reduce_or3A_338 = vector.broadcast %reduce_or3A : f32 to vector<16xf32>
          %reduce_or3A_339 = vector.broadcast %reduce_or3A_337 : f32 to vector<16xf32>
          %reduce_or3A_340 = arith.select %lt3A_336, %reduce_or3A_338, %reduce_or3A_339 : vector<16xi1>, vector<16xf32>
          %reduce_or3A_341 = arith.constant true
          %reduce_or3A_342 = vector.broadcast %reduce_or3A_341 : i1 to vector<16xi1>
          %reduce_or3A_343 = tpu.scan <max>, %reduce_or3A_340 masked %reduce_or3A_342 : vector<16xf32>, vector<16xi1> -> vector<16xf32>
          %reduce_or3A_344 = vector.extract %reduce_or3A_343[15] : f32 from vector<16xf32>
          %reduce_or3A_345 = arith.constant 0.000000e+00 : f32
          %reduce_or3A_346 = arith.cmpf ogt, %reduce_or3A_344, %reduce_or3A_345 : f32
          scf.condition(%reduce_or3A_346) %while3A_335 : vector<16xf32>
        } do {
        ^bb0(%while3A_335: vector<16xf32>):
          %lt3A_336 = arith.cmpf olt, %while3A_335, %select_n3A_323 : vector<16xf32>
          tpu.vector_store_idx %arg12[%select_n3A_303], %select_n3A_323 masked %lt3A_336 : memref<10000xf32, #tpu.memory_space<vmem>>[vector<16xi32>], vector<16xf32>, vector<16xi1>
          %gather3A_337 = tpu.vector_load_idx %arg12[%select_n3A_303] : memref<10000xf32, #tpu.memory_space<vmem>>[vector<16xi32>], vector<16xf32>,
          scf.yield %gather3A_337 : vector<16xf32>
        }
        %gather3A_326 = tpu.vector_load_idx %arg9[%select_n3A_296] : memref<10000xf32, #tpu.memory_space<vmem>>[vector<16xi32>], vector<16xf32>,
        %gather3A_327 = tpu.vector_load_idx %arg13[%select_n3A_303] : memref<10000xf32, #tpu.memory_space<vmem>>[vector<16xi32>], vector<16xf32>,
        %max3A_328 = arith.maximumf %gather3A_326, %gather3A_327 : vector<16xf32>
        %jit3A_329 = arith.constant -3.000000e+38 : f32
        %broadcast_in_dim3A_330 = vector.broadcast %jit3A_329 : f32 to vector<16xf32>
        %select_n3A_331 = arith.select %lt3A, %max3A_328, %broadcast_in_dim3A_330 : vector<16xi1>, vector<16xf32>
        tpu.vector_store_idx %arg13[%select_n3A_303], %select_n3A_331 masked %lt3A : memref<10000xf32, #tpu.memory_space<vmem>>[vector<16xi32>], vector<16xf32>, vector<16xi1>
        %gather3A_332 = tpu.vector_load_idx %arg13[%select_n3A_303] : memref<10000xf32, #tpu.memory_space<vmem>>[vector<16xi32>], vector<16xf32>,
        %while3A_333 = scf.while (%while3A_335 = %gather3A_332) : (vector<16xf32>) -> vector<16xf32> {
          %lt3A_336 = arith.cmpf olt, %while3A_335, %select_n3A_331 : vector<16xf32>
          %reduce_or3A = arith.constant 1.000000e+00 : f32
          %reduce_or3A_337 = arith.constant 0.000000e+00 : f32
          %reduce_or3A_338 = vector.broadcast %reduce_or3A : f32 to vector<16xf32>
          %reduce_or3A_339 = vector.broadcast %reduce_or3A_337 : f32 to vector<16xf32>
          %reduce_or3A_340 = arith.select %lt3A_336, %reduce_or3A_338, %reduce_or3A_339 : vector<16xi1>, vector<16xf32>
          %reduce_or3A_341 = arith.constant true
          %reduce_or3A_342 = vector.broadcast %reduce_or3A_341 : i1 to vector<16xi1>
          %reduce_or3A_343 = tpu.scan <max>, %reduce_or3A_340 masked %reduce_or3A_342 : vector<16xf32>, vector<16xi1> -> vector<16xf32>
          %reduce_or3A_344 = vector.extract %reduce_or3A_343[15] : f32 from vector<16xf32>
          %reduce_or3A_345 = arith.constant 0.000000e+00 : f32
          %reduce_or3A_346 = arith.cmpf ogt, %reduce_or3A_344, %reduce_or3A_345 : f32
          scf.condition(%reduce_or3A_346) %while3A_335 : vector<16xf32>
        } do {
        ^bb0(%while3A_335: vector<16xf32>):
          %lt3A_336 = arith.cmpf olt, %while3A_335, %select_n3A_331 : vector<16xf32>
          tpu.vector_store_idx %arg13[%select_n3A_303], %select_n3A_331 masked %lt3A_336 : memref<10000xf32, #tpu.memory_space<vmem>>[vector<16xi32>], vector<16xf32>, vector<16xi1>
          %gather3A_337 = tpu.vector_load_idx %arg13[%select_n3A_303] : memref<10000xf32, #tpu.memory_space<vmem>>[vector<16xi32>], vector<16xf32>,
          scf.yield %gather3A_337 : vector<16xf32>
        }
        %while3A_334 = arith.constant 0 : i32
        scf.yield %while3A_334 : i32
      }
      %scan3A_283 = arith.constant 0 : i32
      scf.yield %scan3A_283 : i32
    }
    %scan3A_51 = arith.constant 20 : i32
    %dma_wait3A = arith.constant 0 : i32
    %dma_wait3A_52 = arith.constant 312000 : i32
    %dma_wait3A_53 = tpu.memref_slice %arg3[%dma_wait3A_52] : memref<320000xi32, #tpu.memory_space<hbm>> -> memref<8000xi32, #tpu.memory_space<hbm>>
    %dma_wait3A_54 = tpu.memref_slice %arg20[%dma_wait3A] : memref<4x!tpu.dma_semaphore, #tpu.memory_space<semaphore_mem>> -> memref<1x!tpu.dma_semaphore, #tpu.memory_space<semaphore_mem>>
    %dma_wait3A_55 = tpu.memref_squeeze %dma_wait3A_54 : memref<1x!tpu.dma_semaphore, #tpu.memory_space<semaphore_mem>> -> memref<!tpu.dma_semaphore, #tpu.memory_space<semaphore_mem>>
    %dma_wait3A_56 = arith.constant 312000 : i32
    %dma_wait3A_57 = tpu.memref_slice %arg3[%dma_wait3A_56] : memref<320000xi32, #tpu.memory_space<hbm>> -> memref<8000xi32, #tpu.memory_space<hbm>>
    tpu.wait_dma2 semaphore(%dma_wait3A_55 : memref<!tpu.dma_semaphore, #tpu.memory_space<semaphore_mem>>) src(%dma_wait3A_57 : memref<8000xi32, #tpu.memory_space<hbm>>) dst(%arg14 : memref<8000xi32, #tpu.memory_space<vmem>>)
    %dma_wait3A_58 = arith.constant 1 : i32
    %dma_wait3A_59 = arith.constant 312000 : i32
    %dma_wait3A_60 = tpu.memref_slice %arg4[%dma_wait3A_59] : memref<320000xi32, #tpu.memory_space<hbm>> -> memref<8000xi32, #tpu.memory_space<hbm>>
    %dma_wait3A_61 = tpu.memref_slice %arg20[%dma_wait3A_58] : memref<4x!tpu.dma_semaphore, #tpu.memory_space<semaphore_mem>> -> memref<1x!tpu.dma_semaphore, #tpu.memory_space<semaphore_mem>>
    %dma_wait3A_62 = tpu.memref_squeeze %dma_wait3A_61 : memref<1x!tpu.dma_semaphore, #tpu.memory_space<semaphore_mem>> -> memref<!tpu.dma_semaphore, #tpu.memory_space<semaphore_mem>>
    %dma_wait3A_63 = arith.constant 312000 : i32
    %dma_wait3A_64 = tpu.memref_slice %arg4[%dma_wait3A_63] : memref<320000xi32, #tpu.memory_space<hbm>> -> memref<8000xi32, #tpu.memory_space<hbm>>
    tpu.wait_dma2 semaphore(%dma_wait3A_62 : memref<!tpu.dma_semaphore, #tpu.memory_space<semaphore_mem>>) src(%dma_wait3A_64 : memref<8000xi32, #tpu.memory_space<hbm>>) dst(%arg15 : memref<8000xi32, #tpu.memory_space<vmem>>)
    %mul3A_65 = arith.constant 4 : i32
    %mul3A_66 = arith.muli %add3A, %mul3A_65 : i32
    %add3A_67 = arith.constant 0 : i32
    %add3A_68 = arith.addi %mul3A_66, %add3A_67 : i32
    %mul3A_69 = arith.constant 10000 : i32
    %mul3A_70 = arith.muli %add3A_68, %mul3A_69 : i32
    "tpu.region"() ({
      %run_scoped3A = tpu.sem_alloc : memref<!tpu.dma_semaphore, #tpu.memory_space<semaphore_mem>>
      %dma_start3A_89 = tpu.memref_slice %arg5[%mul3A_70] : memref<1280000xf32, #tpu.memory_space<hbm>> -> memref<10000xf32, #tpu.memory_space<hbm>>
      %dma_start3A_90 = tpu.memref_slice %arg5[%mul3A_70] : memref<1280000xf32, #tpu.memory_space<hbm>> -> memref<10000xf32, #tpu.memory_space<hbm>>
      tpu.enqueue_dma source(%arg10 : memref<10000xf32, #tpu.memory_space<vmem>>) target(%dma_start3A_90 : memref<10000xf32, #tpu.memory_space<hbm>>) target_semaphore(%run_scoped3A : memref<!tpu.dma_semaphore, #tpu.memory_space<semaphore_mem>>)
      %dma_wait3A_91 = tpu.memref_slice %arg5[%mul3A_70] : memref<1280000xf32, #tpu.memory_space<hbm>> -> memref<10000xf32, #tpu.memory_space<hbm>>
      %dma_wait3A_92 = tpu.memref_slice %arg5[%mul3A_70] : memref<1280000xf32, #tpu.memory_space<hbm>> -> memref<10000xf32, #tpu.memory_space<hbm>>
      tpu.wait_dma2 semaphore(%run_scoped3A : memref<!tpu.dma_semaphore, #tpu.memory_space<semaphore_mem>>) src(%arg10 : memref<10000xf32, #tpu.memory_space<vmem>>) dst(%dma_wait3A_92 : memref<10000xf32, #tpu.memory_space<hbm>>)
      tpu.yield
    }) : () -> ()
    %mul3A_71 = arith.constant 4 : i32
    %mul3A_72 = arith.muli %add3A, %mul3A_71 : i32
    %add3A_73 = arith.constant 1 : i32
    %add3A_74 = arith.addi %mul3A_72, %add3A_73 : i32
    %mul3A_75 = arith.constant 10000 : i32
    %mul3A_76 = arith.muli %add3A_74, %mul3A_75 : i32
    "tpu.region"() ({
      %run_scoped3A = tpu.sem_alloc : memref<!tpu.dma_semaphore, #tpu.memory_space<semaphore_mem>>
      %dma_start3A_89 = tpu.memref_slice %arg5[%mul3A_76] : memref<1280000xf32, #tpu.memory_space<hbm>> -> memref<10000xf32, #tpu.memory_space<hbm>>
      %dma_start3A_90 = tpu.memref_slice %arg5[%mul3A_76] : memref<1280000xf32, #tpu.memory_space<hbm>> -> memref<10000xf32, #tpu.memory_space<hbm>>
      tpu.enqueue_dma source(%arg11 : memref<10000xf32, #tpu.memory_space<vmem>>) target(%dma_start3A_90 : memref<10000xf32, #tpu.memory_space<hbm>>) target_semaphore(%run_scoped3A : memref<!tpu.dma_semaphore, #tpu.memory_space<semaphore_mem>>)
      %dma_wait3A_91 = tpu.memref_slice %arg5[%mul3A_76] : memref<1280000xf32, #tpu.memory_space<hbm>> -> memref<10000xf32, #tpu.memory_space<hbm>>
      %dma_wait3A_92 = tpu.memref_slice %arg5[%mul3A_76] : memref<1280000xf32, #tpu.memory_space<hbm>> -> memref<10000xf32, #tpu.memory_space<hbm>>
      tpu.wait_dma2 semaphore(%run_scoped3A : memref<!tpu.dma_semaphore, #tpu.memory_space<semaphore_mem>>) src(%arg11 : memref<10000xf32, #tpu.memory_space<vmem>>) dst(%dma_wait3A_92 : memref<10000xf32, #tpu.memory_space<hbm>>)
      tpu.yield
    }) : () -> ()
    %mul3A_77 = arith.constant 4 : i32
    %mul3A_78 = arith.muli %add3A, %mul3A_77 : i32
    %add3A_79 = arith.constant 2 : i32
    %add3A_80 = arith.addi %mul3A_78, %add3A_79 : i32
    %mul3A_81 = arith.constant 10000 : i32
    %mul3A_82 = arith.muli %add3A_80, %mul3A_81 : i32
    "tpu.region"() ({
      %run_scoped3A = tpu.sem_alloc : memref<!tpu.dma_semaphore, #tpu.memory_space<semaphore_mem>>
      %dma_start3A_89 = tpu.memref_slice %arg5[%mul3A_82] : memref<1280000xf32, #tpu.memory_space<hbm>> -> memref<10000xf32, #tpu.memory_space<hbm>>
      %dma_start3A_90 = tpu.memref_slice %arg5[%mul3A_82] : memref<1280000xf32, #tpu.memory_space<hbm>> -> memref<10000xf32, #tpu.memory_space<hbm>>
      tpu.enqueue_dma source(%arg12 : memref<10000xf32, #tpu.memory_space<vmem>>) target(%dma_start3A_90 : memref<10000xf32, #tpu.memory_space<hbm>>) target_semaphore(%run_scoped3A : memref<!tpu.dma_semaphore, #tpu.memory_space<semaphore_mem>>)
      %dma_wait3A_91 = tpu.memref_slice %arg5[%mul3A_82] : memref<1280000xf32, #tpu.memory_space<hbm>> -> memref<10000xf32, #tpu.memory_space<hbm>>
      %dma_wait3A_92 = tpu.memref_slice %arg5[%mul3A_82] : memref<1280000xf32, #tpu.memory_space<hbm>> -> memref<10000xf32, #tpu.memory_space<hbm>>
      tpu.wait_dma2 semaphore(%run_scoped3A : memref<!tpu.dma_semaphore, #tpu.memory_space<semaphore_mem>>) src(%arg12 : memref<10000xf32, #tpu.memory_space<vmem>>) dst(%dma_wait3A_92 : memref<10000xf32, #tpu.memory_space<hbm>>)
      tpu.yield
    }) : () -> ()
    %mul3A_83 = arith.constant 4 : i32
    %mul3A_84 = arith.muli %add3A, %mul3A_83 : i32
    %add3A_85 = arith.constant 3 : i32
    %add3A_86 = arith.addi %mul3A_84, %add3A_85 : i32
    %mul3A_87 = arith.constant 10000 : i32
    %mul3A_88 = arith.muli %add3A_86, %mul3A_87 : i32
    "tpu.region"() ({
      %run_scoped3A = tpu.sem_alloc : memref<!tpu.dma_semaphore, #tpu.memory_space<semaphore_mem>>
      %dma_start3A_89 = tpu.memref_slice %arg5[%mul3A_88] : memref<1280000xf32, #tpu.memory_space<hbm>> -> memref<10000xf32, #tpu.memory_space<hbm>>
      %dma_start3A_90 = tpu.memref_slice %arg5[%mul3A_88] : memref<1280000xf32, #tpu.memory_space<hbm>> -> memref<10000xf32, #tpu.memory_space<hbm>>
      tpu.enqueue_dma source(%arg13 : memref<10000xf32, #tpu.memory_space<vmem>>) target(%dma_start3A_90 : memref<10000xf32, #tpu.memory_space<hbm>>) target_semaphore(%run_scoped3A : memref<!tpu.dma_semaphore, #tpu.memory_space<semaphore_mem>>)
      %dma_wait3A_91 = tpu.memref_slice %arg5[%mul3A_88] : memref<1280000xf32, #tpu.memory_space<hbm>> -> memref<10000xf32, #tpu.memory_space<hbm>>
      %dma_wait3A_92 = tpu.memref_slice %arg5[%mul3A_88] : memref<1280000xf32, #tpu.memory_space<hbm>> -> memref<10000xf32, #tpu.memory_space<hbm>>
      tpu.wait_dma2 semaphore(%run_scoped3A : memref<!tpu.dma_semaphore, #tpu.memory_space<semaphore_mem>>) src(%arg13 : memref<10000xf32, #tpu.memory_space<vmem>>) dst(%dma_wait3A_92 : memref<10000xf32, #tpu.memory_space<hbm>>)
      tpu.yield
    }) : () -> ()
    return
  }
}

</mosaic_0001>

<sc_bundles>
// kernel: _sc_segment_max.3.cloned.1.call-start
scs
__scs_entry_jumppad:
0x0: {  	(pc) =	sbr.rel $0x88, $3  }
0x1: {  	(tag) =	ssettag $0x0;
	lr =	simm.s32 $0x1  }
0x2: {  	[smem:$0x3F9E] =	sst lr;
	_ =	strace $0xD0000000  }
0x3: {  	_ = 	snop  }
0x4: {  	_ = 	snop  }
0x5: {  	_ = 	snop  }
0x6: {  	_ = 	snop  }
0x7: {  	_ = 	snop  }
__scs_overlays_trampoline_lowered:
0x8: {  	[smem:$0x3FAD] =	sst s0  }
0x9: {  	[smem:$0x3FAE] =	sst s1  }
0xa: {  	[smem:$0x3FAF] =	sst s2  }
0xb: {  	[smem:$0x3FB0] =	sst s3  }
0xc: {  	[smem:$0x3FB1] =	sst s4  }
0xd: {  	[smem:$0x3FB2] =	sst s5  }
0xe: {  	[smem:$0x3FB3] =	sst s6  }
0xf: {  	[smem:$0x3FB4] =	sst s7  }
0x10: {  	[smem:$0x3FB5] =	sst s8  }
0x11: {  	[smem:$0x3FB6] =	sst s9;
	s0 =	simm.s32 @!p0 $0x0  }
0x12: {  	s1 =	sld [smem:$0x3F9C];
	s0 =	simm.s32 @p0 $0x1  }
0x13: {  	[smem:$0x3FB7] =	sst s0;
	s0 =	simm.s32 @!p1 $0x0  }
0x14: {  	s2 =	sld [smem:$0x3F9B];
	s0 =	simm.s32 @p1 $0x1  }
0x15: {  	[smem:$0x3FB8] =	sst s0;
	s0 =	simm.s32 @!p2 $0x0  }
0x16: {  	s3 =	sld [smem:$0x3FDB];
	s0 =	simm.s32 @p2 $0x1  }
0x17: {  	s4 =	simm.s32 $0x1BF5;
	[smem:$0x3FBA] =	sst s0  }
0x18: {  	s0 =	sld [smem:$0x3F9D];
	_ =	swait.ge [sflag:s4], $0x0  }
0x19: {  	s7 =	sld [smem:$0x3F9E]  }
0x1a: {  	s8 =	sadd.s32 $0xFFFFE003, lr  }
0x1b: {  	s9 =	sadd.s32 $0xFFFFFEF7, lr;
	s5 =	simm.s32 $0xFFFFFFFF;
	p2 =	slt.u32 s8, $0xFFFFF086  }
0x1c: {  	p1 =	slt.u32 s9, $0xF7A;
	s5 =	simm.s32 @!p2 $0x0  }
0x1d: {  	s5 =	simm.s32 @p1 $0x1;
	p0 =	seq.s32 s7, s2  }
0x1e: {  	s7 =	smul.u32 @!p0 $0xF7A, s2;
	p2 =	seq.s32 @!p0 s5, $0x0  }
0x1f: {  	s9 =	smul.u32 $0xF7A, s1;
	s8 =	simm.s32 @!p0 $0x1BF5;
	p2 =	por !p2, p0  }
0x20: {  	[sflag:s8] =	ssyncset.s32 @!p0 $0xFFFFF086;
	s6 =	sadd.s32 @!p0 s3, s7;
	s7 =	simm.s32 @!p0 $0x108  }
0x21: {  	s3 =	sadd.s32 s3, s9;
	s6 =	sadd.s32 @!p0 $0x88, s6;
	s7 =	simm.s32 @p2 $0x1082  }
0x22: {  	[simem:s7], [sflag:s8] =	dma.local @!p0 [hbm:s6], $0xF7A  }
0x23: {  	s9 =	sor.u32 $0xD0000000, s2;
	s6 =	simm.s32 $0x108;
	_ =	swait.ge @!p0 [sflag:s8], $0x0  }
0x24: {  	s3 =	sadd.s32 $0x88, s3;
	s6 =	simm.s32 @!p1 $0x1082;
	[sflag:s4] =	ssyncset.s32 $0xFFFFF086  }
0x25: {  	[simem:s6], [sflag:s4] =	dma.local [hbm:s3], $0xF7A  }
0x26: {  	[smem:$0x3F9E] =	sst s1;
	(tag) =	ssettag s2;
	_ =	strace s9  }
0x27: {  	s1 =	sld [smem:$0x3FAE]  }
0x28: {  	s2 =	sld [smem:$0x3FAF]  }
0x29: {  	s4 =	sld [smem:$0x3FB1]  }
0x2a: {  	p0 =	seq.s32 s5, $0x0;
	s5 =	sld [smem:$0x3FB2]  }
0x2b: {  	s6 =	sld [smem:$0x3FB3]  }
0x2c: {  	s7 =	sld [smem:$0x3FB4]  }
0x2d: {  	s3 =	simm.s32 $0x108;
	s8 =	sld [smem:$0x3FB5]  }
0x2e: {  	s3 =	simm.s32 @!p0 $0x1082;
	s9 =	sld [smem:$0x3FB6]  }
0x2f: {  	lr =	sadd.s32 s0, s3;
	s0 =	sld [smem:$0x3FAD]  }
0x30: {  	s3 =	sld [smem:$0x3FB0]  }
0x31: {  	[smem:$0x3FB9] =	sst s10  }
0x32: {  	s10 =	sld [smem:$0x3FB7];
	_ =	sdelay $0x3  }
0x33: {  	p0 =	seq.s32 s10, $0x1;
	s10 =	sld [smem:$0x3FB9];
	_ =	sdelay $0x3  }
0x34: {  	[smem:$0x3FB9] =	sst s10  }
0x35: {  	s10 =	sld [smem:$0x3FB8];
	_ =	sdelay $0x3  }
0x36: {  	p1 =	seq.s32 s10, $0x1;
	s10 =	sld [smem:$0x3FB9];
	_ =	sdelay $0x3  }
0x37: {  	[smem:$0x3FB9] =	sst s10  }
0x38: {  	s10 =	sld [smem:$0x3FBA]  }
0x39: {  	_ = 	snop;
	(pc) =	sbr.ind lr, $3  }
0x3a: {  	_ = 	snop  }
0x3b: {  	_ = 	snop  }
0x3c: {  	p2 =	seq.s32 s10, $0x1;
	s10 =	sld [smem:$0x3FB9]  }
0x3d: {  	_ =	shalt  }
0x3e: {  	_ =	shalt  }
0x3f: {  	_ =	shalt  }
0x40: {  	_ =	shalt  }
0x41: {  	_ =	shalt  }
0x42: {  	_ =	shalt  }
0x43: {  	_ =	shalt  }
0x44: {  	_ =	shalt  }
0x45: {  	_ =	shalt  }
0x46: {  	_ =	shalt  }
0x47: {  	_ =	shalt  }
0x48: {  	_ =	shalt  }
0x49: {  	_ =	shalt  }
0x4a: {  	_ =	shalt  }
0x4b: {  	_ =	shalt  }
0x4c: {  	_ =	shalt  }
0x4d: {  	_ =	shalt  }
0x4e: {  	_ =	shalt  }
0x4f: {  	_ =	shalt  }
0x50: {  	_ =	shalt  }
0x51: {  	_ =	shalt  }
0x52: {  	_ =	shalt  }
0x53: {  	_ =	shalt  }
0x54: {  	_ =	shalt  }
0x55: {  	_ =	shalt  }
0x56: {  	_ =	shalt  }
0x57: {  	_ =	shalt  }
0x58: {  	_ =	shalt  }
0x59: {  	_ =	shalt  }
0x5a: {  	_ =	shalt  }
0x5b: {  	_ =	shalt  }
0x5c: {  	_ =	shalt  }
0x5d: {  	_ =	shalt  }
0x5e: {  	_ =	shalt  }
0x5f: {  	_ =	shalt  }
0x60: {  	_ =	shalt  }
0x61: {  	_ =	shalt  }
0x62: {  	_ =	shalt  }
0x63: {  	_ =	shalt  }
0x64: {  	_ =	shalt  }
0x65: {  	_ =	shalt  }
0x66: {  	_ =	shalt  }
0x67: {  	_ =	shalt  }
0x68: {  	_ =	shalt  }
0x69: {  	_ =	shalt  }
0x6a: {  	_ =	shalt  }
0x6b: {  	_ =	shalt  }
0x6c: {  	_ =	shalt  }
0x6d: {  	_ =	shalt  }
0x6e: {  	_ =	shalt  }
0x6f: {  	_ =	shalt  }
0x70: {  	_ =	shalt  }
0x71: {  	_ =	shalt  }
0x72: {  	_ =	shalt  }
0x73: {  	_ =	shalt  }
0x74: {  	_ =	shalt  }
0x75: {  	_ =	shalt  }
0x76: {  	_ =	shalt  }
0x77: {  	_ =	shalt  }
0x78: {  	_ =	shalt  }
0x79: {  	_ =	shalt  }
0x7a: {  	_ =	shalt  }
0x7b: {  	_ =	shalt  }
0x7c: {  	_ =	shalt  }
0x7d: {  	_ =	shalt  }
0x7e: {  	_ =	shalt  }
0x7f: {  	_ =	shalt  }
0x80: {  	_ =	shalt  }
0x81: {  	_ =	shalt  }
0x82: {  	_ =	shalt  }
0x83: {  	_ =	shalt  }
0x84: {  	_ =	shalt  }
0x85: {  	_ =	shalt  }
0x86: {  	_ =	shalt  }
0x87: {  	_ =	shalt  }
.Lfunc_end0:
.L_simem_size_0:
called_computation_lowered:
.L_overlay_start_0:
0x88: {  	s2 =	sld [smem:$0x3FD9]  }
0x89: {  	s3 =	sld [smem:$0x3FFE];
	_ =	sdelay $0x1  }
0x8a: {  	s1 =	srdreg.scid  }
0x8b: {  	s0 =	sand.u32 $0x1, s1  }
0x8c: {  	s18 =	sshll.u32 s0, $0xA;
	s2 =	sadd.s32 s3, s2  }
0x8d: {  	s2 =	sadd.s32 s2, s18  }
0x8e: {  	[smem:$0x3FC5] =	sst s2  }
0x8f: {  	_ = 	snop  }
0x90: {  	s2 =	sld [smem:$0x3FC9]  }
0x91: {  	s19 =	sld [smem:$0x3FC8]  }
0x92: {  	s4 =	sld [smem:$0x3FC7]  }
0x93: {  	s5 =	sld [smem:$0x3FD0];
	(tm) =	ssettm $0x1  }
0x94: {  	s6 =	sld [smem:$0x3FFB];
	_ =	sdelay $0x3  }
0x95: {  	_ =	strace s6  }
0x96: {  	s6 =	sld [smem:$0x3FFC];
	_ =	sdelay $0x3  }
0x97: {  	_ =	strace s6  }
0x98: {  	s6 =	sld [smem:$0x3FFD];
	_ =	sdelay $0x3  }
0x99: {  	_ =	strace s6  }
0x9a: {  	_ =	strace $0x8FFFFFFF  }
0x9b: {  	s20 =	sld [smem:$0x3FDB];
	_ =	sdelay $0x1  }
0x9c: {  	s7 =	simm.s32 $_scs_section_size  }
0x9d: {  	s8 =	simm.s32 $_size__tile_overlayer_lowered;
	s9 =	simm.s32 $_tile_overlayer_lowered  }
0x9e: {  	s23 =	simm.s32 $0x1BFF;
	s22 =	sshll.u32 s9, $0x1;
	s6 =	sadd.s32 s7, s20  }
0x9f: {  	s10 =	simm.s32 $0x0;
	s21 =	sshll.u32 s8, $0x1;
	s8 =	sadd.s32 s22, s6  }
0xa0: {  	[timem:s10], [sflag:s23] =	dma.local [hbm:s8], s21  }
0xa1: {  	_ =	swait.ge [sflag:s23], s21  }
0xa2: {  	s7 =	ssub.s32 $0x0, s21;
	[sflag:s23] =	ssyncset.done $0x0  }
0xa3: {  	[sflag:s23] =	ssyncadd.s32 s7;
	_ =	sdelay $0x1  }
0xa4: {  	s24 =	simm.s32 $0x1B8B  }
0xa5: {  	_ =	swait.ge [sflag:s24], $0x1  }
0xa6: {  	[sflag:s24] =	ssyncset.done $0x0  }
0xa7: {  	s25 =	simm.s32 $0x1B8E;
	[sflag:s24] =	ssyncadd.s32 $0xFFFFFFFF  }
0xa8: {  	s26 =	simm.s32 $execute0_lowered;
	[smem:$0x3FD2] =	sst s25  }
0xa9: {  	s7 =	sshll.u32 s26, $0x1;
	_ =	strace $0x80000046;
	[dreg:$0x1] =	wrdreg $0xFFFFFFFF  }
0xaa: {  	s28 =	simm.s32 $_size_execute0_lowered;
	s6 =	sadd.s32 s6, s7;
	[dreg:$0x0] =	wrdreg $0x0  }
0xab: {  	s7 =	sshll.u32 s28, $0x1;
	[dreg:$0x2] =	wrdreg s6  }
0xac: {  	[dreg:$0x3] =	wrdreg s7  }
0xad: {  	[dreg:$0x4] =	wrdreg $0xC0  }
0xae: {  	_ =	task [dreg:s10], $0x5FFFF  }
0xaf: {  	[dreg:$0x1] =	wrdreg $0xFFFFFFFF  }
0xb0: {  	[dreg:$0x0] =	wrdreg $0x60  }
0xb1: {  	[dreg:$0x2] =	wrdreg s2  }
0xb2: {  	[dreg:$0x3] =	wrdreg s19  }
0xb3: {  	[dreg:$0x4] =	wrdreg s4  }
0xb4: {  	[dreg:$0x5] =	wrdreg s5  }
0xb5: {  	[dreg:$0x6] =	wrdreg $0x9  }
0xb6: {  	_ =	task.clear_ibuf [dreg:s10], $0x7FFFF;
	_ =	strace $0x90000046  }
0xb7: {  	s29 =	simm.s32 $0x9;
	_ =	strace $0x80000048  }
0xb8: {  	_ =	swait.ge [sflag:s29], $0x1  }
0xb9: {  	[sflag:s29] =	ssyncadd.s32 $0xFFFFFFFF  }
0xba: {  	_ =	strace $0x90000048  }
0xbb: {  	_ =	sfence  }
0xbc: {  	s30 =	sld [smem:$0x0];
	_ =	sdelay $0x2  }
0xbd: {  	s31 =	sshll.u32 s1, $0xD;
	s1 =	sshrl.u32 s1, $0x2  }
0xbe: {  	s3 =	sand.u32 $0x4000, s31;
	s1 =	sadd.s32 s1, s30  }
0xbf: {  	s0 =	sor.u32 s3, s0;
	s1 =	sshll.u32 s1, $0x11  }
0xc0: {  	s0 =	sor.u32 s1, s0  }
0xc1: {  	s0 =	sadd.s32 $0x8F2B, s0  }
0xc2: {  	[sflag:s0] =	ssyncadd.remote.s32 $0x1  }
0xc3: {  	_ =	sfence.sel $0xFFFF  }
0xc4: {  	[dreg:$0x0] =	wrdreg $0xFFFFFFFF;
	(pc) =	sbr.abs _section_cstart, $3  }
0xc5: {  	[dreg:$0x1] =	wrdreg $0xFFFFFFFF  }
0xc6: {  	_ =	task.clear_ibuf [dreg:s10], $0x2FFFF;
	_ =	strace $0x9FFFFFFF  }
0xc7: {  	(tm) =	ssettm $0x7FFFFFFF  }
tec
execute0_lowered:
.L_overlay_start_1:
0x0: {  	(tag) =	ssettag $0x1  }
0x1: {  	s0 =	rddreg [dreg:$0x0]  }
0x2: {  	s1 =	rddreg [dreg:$0x1]  }
0x3: {  	s2 =	srdreg.scid;
	s3 =	rddreg [dreg:$0x2]  }
0x4: {  	s4 =	stileid.u32;
	s5 =	rddreg [dreg:$0x3]  }
0x5: {  	s14 =	simm.s32 $0x5;
	s15 =	simm.s32 $0x2780;
	s16 =	simm.s32 $0x4F00  }
0x6: {  	s17 =	simm.s32 $0x7680;
	s18 =	simm.s32 $0x13C00;
	s19 =	simm.s32 $0x15B80  }
0x7: {  	s20 =	simm.s32 $0x17B00;
	s21 =	simm.s32 $0x19A80;
	s22 =	simm.s32 $0x2  }
0x8: {  	s23 =	simm.s32 $0x9E00;
	s2 =	sand.u32 $0x1, s2;
	s4 =	sshll.u32 s4, $0x1  }
0x9: {  	s28 =	simm.s32 $0x1BA00;
	s29 =	simm.s32 $0x1D980;
	s6 =	sor.u32 s2, s4  }
0xa: {  	s30 =	simm.s32 $0x1;
	s4 =	simm.s32 $0x0;
	s7 =	smul.u32 $0x1388, s6  }
0xb: {  	s2 =	ssub.s32 $0x2, s2;
	[smem:$0x7FF] =	sst s4;
	s6 =	smul.u32 $0x9C40, s6  }
0xc: {  	s31 =	simm.s32 $0x3;
	s8 =	sshrl.u32 s2, $0x1;
	_ =	strace $0x80000047  }
0xd: {  	s2 =	ssub.s32 s2, s8;
	s24 =	sadd.s32 s0, s7;
	s6 =	sshrl.u32 s6, $0x3  }
0xe: {  	s9 =	sadd.s32 s5, s7;
	s13 =	smax.u32 s2, $0x1;
	s2 =	simm.s32 $0x4  }
0xf: {  	[dreg:$0x5] =	wrdreg s24;
	s10 =	sadd.s32 $0x4E2, s6;
	s11 =	sadd.s32 $0x9C4, s6  }
.Ltmp0:
0x10: {  	s6 =	sadd.s32 $0xEA6, s6;
	s25 =	sadd.s32 s0, s10;
	(pc) =	sbr.rel .LBB2_1-.Ltmp0, $4  }
0x11: {  	s24 =	simm.s32 $0xC580;
	s26 =	sadd.s32 s0, s11;
	[dreg:$0x6] =	wrdreg s25  }
0x12: {  	s0 =	sadd.s32 s0, s6;
	s10 =	sadd.s32 s5, s10;
	[dreg:$0x7] =	wrdreg s26  }
0x13: {  	v0 =	vimm.f32 $-3.000000010e+38;
	s11 =	sadd.s32 s5, s11;
	s12 =	sadd.s32 s5, s6;
	[dreg:$0x8] =	wrdreg s0  }
0x14: {  	v1 =	vimm.s32 $0x0;
	v2 =	vlaneseq.u32;
	v3 =	vimm.f32 $0.0e+00;
	s25 =	simm.s32 $0xED00;
	s26 =	simm.s32 $0x11480;
	s0 =	simm.s32 $0x0  }
.LBB2_29:
0x15: {  	_ =	swait.ge [sflag:s30], $0x1F40  }
0x16: {  	[sflag:s30] =	ssyncset.done $0x0  }
0x17: {  	[sflag:s30] =	ssyncadd.s32 $0xFFFFE0C0  }
0x18: {  	_ =	swait.ge [sflag:s22], $0x1F40  }
0x19: {  	[sflag:s22] =	ssyncset.done $0x0  }
0x1a: {  	[sflag:s22] =	ssyncadd.s32 $0xFFFFE0C0  }
0x1b: {  	[hbm4b:s9+s4] =	stream.linear.scatter [tilespmem:s23], [sflag:$0x5], $0x2710, $0x38;
	[tilespmem:$0x1F900] =	vst v63  }
0x1c: {  	_ =	swait.ge [sflag:s14], $0x2710  }
0x1d: {  	[sflag:s14] =	ssyncset.done $0x0  }
0x1e: {  	[sflag:s14] =	ssyncadd.s32 $0xFFFFD8F0  }
0x1f: {  	[hbm4b:s10+s4] =	stream.linear.scatter [tilespmem:s24], [sflag:$0x5], $0x2710, $0x38;
	[tilespmem:$0x1F900] =	vst v63  }
0x20: {  	_ =	swait.ge [sflag:s14], $0x2710  }
0x21: {  	[sflag:s14] =	ssyncset.done $0x0  }
0x22: {  	[sflag:s14] =	ssyncadd.s32 $0xFFFFD8F0  }
0x23: {  	[hbm4b:s11+s4] =	stream.linear.scatter [tilespmem:s25], [sflag:$0x5], $0x2710, $0x38;
	[tilespmem:$0x1F900] =	vst v63  }
0x24: {  	s0 =	sadd.s32 $0x1, s0;
	_ =	swait.ge [sflag:s14], $0x2710  }
0x25: {  	p0 =	sne.s32 s0, s13;
	[sflag:s14] =	ssyncset.done $0x0  }
.Ltmp1:
0x26: {  	[sflag:s14] =	ssyncadd.s32 $0xFFFFD8F0;
	(pc) =	sbr.rel @!p0 .LBB2_30-.Ltmp1, $4  }
0x27: {  	[hbm4b:s12+s4] =	stream.linear.scatter [tilespmem:s26], [sflag:$0x5], $0x2710, $0x38;
	[tilespmem:$0x1F900] =	vst v63  }
0x28: {  	_ =	swait.ge [sflag:s14], $0x2710  }
0x29: {  	[sflag:s14] =	ssyncset.done $0x0  }
0x2a: {  	[sflag:s14] =	ssyncadd.s32 $0xFFFFD8F0  }
.LBB2_1:
0x2b: {  	s5 =	rddreg [dreg:$0x5]  }
0x2c: {  	[tilespmem:s4], [sflag:$0x5] =	stream.linear.gather [hbm4b:s5+s4], $0x2710, $0x38;
	[tilespmem:$0x1F900] =	vst v63  }
0x2d: {  	_ =	swait.ge [sflag:s14], $0x2710  }
0x2e: {  	[sflag:s14] =	ssyncset.done $0x0  }
0x2f: {  	s6 =	rddreg [dreg:$0x6];
	[sflag:s14] =	ssyncadd.s32 $0xFFFFD8F0  }
0x30: {  	[tilespmem:s15], [sflag:$0x5] =	stream.linear.gather [hbm4b:s6+s4], $0x2710, $0x38;
	[tilespmem:$0x1F900] =	vst v63  }
0x31: {  	_ =	swait.ge [sflag:s14], $0x2710  }
0x32: {  	[sflag:s14] =	ssyncset.done $0x0  }
0x33: {  	s7 =	rddreg [dreg:$0x7];
	[sflag:s14] =	ssyncadd.s32 $0xFFFFD8F0  }
0x34: {  	[tilespmem:s16], [sflag:$0x5] =	stream.linear.gather [hbm4b:s7+s4], $0x2710, $0x38;
	[tilespmem:$0x1F900] =	vst v63  }
0x35: {  	_ =	swait.ge [sflag:s14], $0x2710  }
0x36: {  	[sflag:s14] =	ssyncset.done $0x0  }
0x37: {  	s8 =	rddreg [dreg:$0x8];
	[sflag:s14] =	ssyncadd.s32 $0xFFFFD8F0  }
0x38: {  	[tilespmem:s17], [sflag:$0x5] =	stream.linear.gather [hbm4b:s8+s4], $0x2710, $0x38;
	[tilespmem:$0x1F900] =	vst v63  }
0x39: {  	_ =	swait.ge [sflag:s14], $0x2710  }
0x3a: {  	[sflag:s14] =	ssyncset.done $0x0  }
0x3b: {  	s5 =	simm.s32 $0x0;
	s6 =	simm.s32 $0x40;
	[sflag:s14] =	ssyncadd.s32 $0xFFFFD8F0  }
.LBB2_2:
0x3c: {  	p0 =	sne.s32 s6, $0x9C00;
	[tilespmem:s5+$0x11480] =	vst v0;
	s7 =	smov.u32 s6;
	s6 =	sadd.s32 $0x40, s6  }
.Ltmp2:
0x3d: {  	[tilespmem:s5+$0xED00] =	vst v0;
	(pc) =	sbr.rel @p0 .LBB2_2-.Ltmp2, $3  }
0x3e: {  	[tilespmem:s5+$0x9E00] =	vst v0  }
0x3f: {  	[tilespmem:s5+$0xC580] =	vst v0;
	_ =	sdelay $0x1  }
0x40: {  	s5 =	sshra.s32 s7, $0x2  }
0x41: {  	[tilespmem:s5+$0x11480] =	vst v0  }
0x42: {  	[tilespmem:s5+$0xED00] =	vst v0  }
.Ltmp3:
0x43: {  	[tilespmem:s5+$0x9E00] =	vst v0;
	(pc) =	sbr.rel .LBB2_4-.Ltmp3, $4  }
0x44: {  	[tilespmem:s5+$0xC580] =	vst v0;
	s5 =	simm.s32 $0x0  }
0x45: {  	[tilespmem:s18], [sflag:$0x1] =	stream.linear.gather [hbm4b:s1+s5], $0x1F40, $0x38;
	[tilespmem:$0x1F900] =	vst v63  }
0x46: {  	_ = 	snop  }
0x47: {  	[tilespmem:s19], [sflag:$0x2] =	stream.linear.gather [hbm4b:s3+s5], $0x1F40, $0x38;
	[tilespmem:$0x1F900] =	vst v63  }
.LBB2_28:
0x48: {  	s5 =	sadd.s32 $0x1, s5  }
0x49: {  	p0 =	sne.s32 s5, $0x14  }
.Ltmp4:
0x4a: {  	_ = 	snop;
	(pc) =	sbr.rel @!p0 .LBB2_29-.Ltmp4, $1  }
0x4b: {  	_ =	sdelay $0x3  }
.LBB2_4:
0x4c: {  	s6 =	smul.u32 $0x3E80, s5;
	_ =	sdelay $0x1  }
0x4d: {  	s6 =	sshrl.u32 s6, $0x3  }
0x4e: {  	s6 =	sadd.s32 $0x3E8, s6  }
0x4f: {  	s7 =	sadd.s32 s1, s6  }
0x50: {  	[tilespmem:s20], [sflag:$0x3] =	stream.linear.gather [hbm4b:s7+s4], $0x1F40, $0x38;
	[tilespmem:$0x1F900] =	vst v63  }
0x51: {  	s8 =	simm.s32 $0x1;
	s6 =	sadd.s32 s3, s6  }
0x52: {  	[tilespmem:s21], [sflag:$0x4] =	stream.linear.gather [hbm4b:s6+s4], $0x1F40, $0x38;
	[tilespmem:$0x1F900] =	vst v63  }
0x53: {  	_ =	swait.ge [sflag:s8], $0x1F40  }
0x54: {  	[sflag:s8] =	ssyncset.done $0x0  }
0x55: {  	[sflag:s8] =	ssyncadd.s32 $0xFFFFE0C0  }
0x56: {  	_ =	swait.ge [sflag:s22], $0x1F40  }
0x57: {  	[sflag:s22] =	ssyncset.done $0x0  }
0x58: {  	[sflag:s22] =	ssyncadd.s32 $0xFFFFE0C0  }
0x59: {  	v4 =	vld [tilespmem:$0x13C30]  }
0x5a: {  	v6 =	vld [tilespmem:$0x13C00]  }
0x5b: {  	v20 =	vld [tilespmem:$0x15BA0]  }
0x5c: {  	v21 =	vld [tilespmem:$0x15B80]  }
0x5d: {  	v19 =	vld [tilespmem:$0x13C20]  }
0x5e: {  	v22 =	vld [tilespmem:$0x13C10]  }
0x5f: {  	s6 =	smin.u32 s8, $0x7C;
	v23 =	vld [tilespmem:$0x15B90]  }
0x60: {  	s6 =	sshll.u32 s6, $0x6;
	v5 =	vld [tilespmem:$0x15BB0];
	(xrf1) =	vunique.msk.u32 $0xffff, v20  }
0x61: {  	v18 =	vld [tilespmem:s6+$0x15BA0];
	(xrf1) =	vunique.msk.u32 $0xffff, v21  }
0x62: {  	v14 =	vld [tilespmem:s6+$0x15B90]  }
0x63: {  	v13 =	vld [tilespmem:s6+$0x15B80]  }
0x64: {  	v16 =	vld [tilespmem:s6+$0x13C30]  }
0x65: {  	v12 =	vld [tilespmem:s6+$0x13C10]  }
0x66: {  	v7 =	vld.idx.msk [tilespmem:v4+s17+$0x0], $0xffff  }
0x67: {  	v8 =	vld.idx.msk [tilespmem:v4+s16+$0x0], $0xffff  }
0x68: {  	v9 =	vld.idx.msk [tilespmem:v4+s15+$0x0], $0xffff  }
0x69: {  	v10 =	vld.idx.msk [tilespmem:v4+s4+$0x0], $0xffff  }
0x6a: {  	v24 =	vld.idx.msk [tilespmem:v19+s17+$0x0], $0xffff  }
0x6b: {  	v25 =	vld.idx.msk [tilespmem:v19+s16+$0x0], $0xffff  }
0x6c: {  	v26 =	vld.idx.msk [tilespmem:v19+s15+$0x0], $0xffff  }
0x6d: {  	(xrf1) =	vunique.msk.u32 $0xffff, v23;
	v27 =	vld.idx.msk [tilespmem:v19+s4+$0x0], $0xffff  }
0x6e: {  	v28 =	vld.idx.msk [tilespmem:v22+s17+$0x0], $0xffff;
	_, v33, vm0 =	vpop (xrf1)  }
0x6f: {  	v29 =	vld.idx.msk [tilespmem:v22+s16+$0x0], $0xffff;
	_, v11, vm1 =	vpop (xrf1)  }
0x70: {  	v30 =	vld.idx.msk [tilespmem:v21+s26+$0x0], $0xffff;
	vm2 =	vne.s32 v11, $0x1;
	vm1 =	vmneg vm1  }
0x71: {  	v31 =	vld.idx.msk [tilespmem:v21+s25+$0x0], $0xffff;
	vm1 =	vmor vm2, vm1  }
0x72: {  	v32 =	vld.idx.msk [tilespmem:v21+s24+$0x0], $0xffff;
	v11 =	vsel vm1, $0x1, v1  }
0x73: {  	v15 =	vld.idx.msk [tilespmem:v21+s23+$0x0], $0xffff;
	(xrf0) =	vadd.scan.msk.s32 $0xffff, v11  }
0x74: {  	v34 =	vld.idx.msk [tilespmem:v6+s4+$0x0], $0xffff  }
0x75: {  	v35 =	vld.idx.msk [tilespmem:v6+s15+$0x0], $0xffff  }
0x76: {  	v36 =	vld.idx.msk [tilespmem:v6+s16+$0x0], $0xffff  }
0x77: {  	v37 =	vld.idx.msk [tilespmem:v6+s17+$0x0], $0xffff  }
0x78: {  	v38 =	vld.idx.msk [tilespmem:v22+s15+$0x0], $0xffff  }
0x79: {  	v40 =	vimm.s32 $0x0;
	v39 =	vld.idx.msk [tilespmem:v22+s4+$0x0], $0xffff;
	v17, _, _ =	vpop (xrf0)  }
0x7a: {  	v34 =	vmax.f32 v34, v15;
	v15 =	vld [tilespmem:s6+$0x13C00];
	v41 =	vadd.s32 v17, v40  }
0x7b: {  	_, v42, vm2 =	vpop (xrf1);
	v11 =	vld [tilespmem:s6+$0x15BB0];
	v41 =	vadd.s32 $0xFFFFFFFF, v41  }
0x7c: {  	v32 =	vmax.f32 v35, v32;
	vm3 =	vne.s32 v42, $0x1;
	vm2 =	vmneg vm2;
	v17 =	vld [tilespmem:s6+$0x13C20];
	[tilespmem:v21+s23+$0x0] =	vst.idx.msk $0xffff, v34  }
0x7d: {  	v31 =	vmax.f32 v36, v31;
	vm2 =	vmor vm3, vm2;
	[tilespmem:v21+s24+$0x0] =	vst.idx.msk $0xffff, v32  }
0x7e: {  	v30 =	vmax.f32 v37, v30;
	v63 =	vsel vm2, $0x1, v1;
	[tilespmem:v21+s25+$0x0] =	vst.idx.msk $0xffff, v31  }
0x7f: {  	(xrf0) =	vadd.scan.msk.s32 $0xffff, v63;
	[tilespmem:v21+s26+$0x0] =	vst.idx.msk $0xffff, v30  }
0x80: {  	[tilespmem:v41+s28+$0x0] =	vst.idx.msk vm1, v6  }
0x81: {  	[tilespmem:v41+s29+$0x0] =	vst.idx.msk vm1, v21  }
0x82: {  	(xrf1) =	vunique.msk.u32 $0xffff, v5;
	v6 =	vld.idx.msk [tilespmem:v23+s23+$0x0], $0xffff  }
0x83: {  	v21 =	vmpcnt.ones.xlane vm1;
	v30 =	vld.idx.msk [tilespmem:v23+s24+$0x0], $0xffff  }
0x84: {  	v31 =	vld.idx.msk [tilespmem:v23+s25+$0x0], $0xffff  }
0x85: {  	v32, _, _ =	vpop (xrf0);
	v34 =	vld.idx.msk [tilespmem:v23+s26+$0x0], $0xffff;
	v21 =	vadd.s32 v40, v21  }
0x86: {  	v32 =	vadd.s32 v21, v32  }
0x87: {  	v32 =	vadd.s32 $0xFFFFFFFF, v32;
	v6 =	vmax.f32 v39, v6  }
0x88: {  	vm0 =	vmneg vm0;
	vm1 =	vne.s32 v33, $0x1;
	[tilespmem:v23+s23+$0x0] =	vst.idx.msk $0xffff, v6;
	v6 =	vmax.f32 v38, v30  }
0x89: {  	vm1 =	vmor vm1, vm0;
	[tilespmem:v23+s24+$0x0] =	vst.idx.msk $0xffff, v6;
	v6 =	vmax.f32 v29, v31  }
0x8a: {  	v29 =	vsel vm1, $0x1, v1;
	[tilespmem:v23+s25+$0x0] =	vst.idx.msk $0xffff, v6;
	v6 =	vmax.f32 v28, v34  }
0x8b: {  	(xrf0) =	vadd.scan.msk.s32 $0xffff, v29;
	[tilespmem:v23+s26+$0x0] =	vst.idx.msk $0xffff, v6  }
0x8c: {  	[tilespmem:v32+s28+$0x0] =	vst.idx.msk vm2, v22  }
0x8d: {  	v22 =	vmpcnt.ones.xlane vm2;
	[tilespmem:v32+s29+$0x0] =	vst.idx.msk vm2, v23  }
0x8e: {  	v6 =	vld.idx.msk [tilespmem:v20+s23+$0x0], $0xffff  }
0x8f: {  	v23 =	vld.idx.msk [tilespmem:v20+s24+$0x0], $0xffff  }
0x90: {  	_, v28, vm0 =	vpop (xrf1);
	v29 =	vld.idx.msk [tilespmem:v20+s25+$0x0], $0xffff  }
0x91: {  	v21 =	vadd.s32 v21, v22;
	v30 =	vld.idx.msk [tilespmem:v20+s26+$0x0], $0xffff;
	v22, _, _ =	vpop (xrf0)  }
0x92: {  	vm0 =	vmneg vm0;
	v22 =	vadd.s32 v21, v22  }
0x93: {  	vm2 =	vne.s32 v28, $0x1;
	v22 =	vadd.s32 $0xFFFFFFFF, v22;
	v6 =	vmax.f32 v27, v6  }
0x94: {  	vm0 =	vmor vm2, vm0;
	[tilespmem:v20+s23+$0x0] =	vst.idx.msk $0xffff, v6;
	v6 =	vmax.f32 v26, v23  }
0x95: {  	v23 =	vsel vm0, $0x1, v1;
	[tilespmem:v20+s24+$0x0] =	vst.idx.msk $0xffff, v6;
	v6 =	vmax.f32 v25, v29  }
0x96: {  	(xrf0) =	vadd.scan.msk.s32 $0xffff, v23;
	[tilespmem:v20+s25+$0x0] =	vst.idx.msk $0xffff, v6;
	v6 =	vmax.f32 v24, v30  }
0x97: {  	[tilespmem:v20+s26+$0x0] =	vst.idx.msk $0xffff, v6  }
0x98: {  	[tilespmem:v22+s28+$0x0] =	vst.idx.msk vm1, v19  }
0x99: {  	[tilespmem:v22+s29+$0x0] =	vst.idx.msk vm1, v20  }
0x9a: {  	v6 =	vmpcnt.ones.xlane vm1;
	v20 =	vld.idx.msk [tilespmem:v5+s23+$0x0], $0xffff  }
0x9b: {  	v19 =	vmpcnt.ones.xlane vm0;
	v25 =	vld.idx.msk [tilespmem:v5+s24+$0x0], $0xffff  }
0x9c: {  	v6 =	vadd.s32 v21, v6;
	v24 =	vld.idx.msk [tilespmem:v5+s25+$0x0], $0xffff;
	v21, _, _ =	vpop (xrf0)  }
0x9d: {  	s6 =	simm.s32 $0x2;
	v23 =	vld.idx.msk [tilespmem:v5+s26+$0x0], $0xffff;
	v28 =	vadd.s32 v6, v21;
	v6 =	vadd.s32 v6, v19  }
.LBB2_5:
0x9e: {  	p0 =	sne.s32 s6, $0x7D;
	(xrf1) =	vunique.msk.u32 $0xffff, v18;
	v19 =	vmovc v18;
	v21 =	vmov v14;
	v27 =	vmov v13;
	v22 =	vmov v12;
	s7 =	smov.u32 s6;
	s6 =	sadd.s32 $0x1, s6  }
0x9f: {  	v18 =	vadd.s32 $0xFFFFFFFF, v28;
	v28 =	vmovc v15;
	v10 =	vmax.f32 v10, v20;
	v20 =	vmov v17  }
0xa0: {  	(xrf1) =	vunique.msk.u32 $0xffff, v13;
	[tilespmem:v5+s23+$0x0] =	vst.idx.msk $0xffff, v10;
	v9 =	vmax.f32 v9, v25  }
0xa1: {  	[tilespmem:v5+s24+$0x0] =	vst.idx.msk $0xffff, v9;
	v8 =	vmax.f32 v8, v24  }
0xa2: {  	[tilespmem:v5+s25+$0x0] =	vst.idx.msk $0xffff, v8;
	v7 =	vmax.f32 v7, v23  }
0xa3: {  	[tilespmem:v5+s26+$0x0] =	vst.idx.msk $0xffff, v7  }
0xa4: {  	[tilespmem:v18+s28+$0x0] =	vst.idx.msk vm0, v4;
	v4 =	vmov v16  }
0xa5: {  	[tilespmem:v18+s29+$0x0] =	vst.idx.msk vm0, v5;
	v5 =	vmov v11  }
0xa6: {  	v7 =	vld.idx.msk [tilespmem:v16+s17+$0x0], $0xffff  }
0xa7: {  	v8 =	vld.idx.msk [tilespmem:v16+s16+$0x0], $0xffff  }
0xa8: {  	v9 =	vld.idx.msk [tilespmem:v16+s15+$0x0], $0xffff  }
0xa9: {  	v10 =	vld.idx.msk [tilespmem:v16+s4+$0x0], $0xffff  }
0xaa: {  	v23 =	vld.idx.msk [tilespmem:v17+s17+$0x0], $0xffff  }
0xab: {  	v24 =	vld.idx.msk [tilespmem:v17+s16+$0x0], $0xffff  }
0xac: {  	v25 =	vld.idx.msk [tilespmem:v17+s15+$0x0], $0xffff;
	_, v16, vm1 =	vpop (xrf1)  }
0xad: {  	v26 =	vld.idx.msk [tilespmem:v17+s4+$0x0], $0xffff;
	vm0 =	vne.s32 v16, $0x1;
	vm1 =	vmneg vm1;
	(xrf1) =	vunique.msk.u32 $0xffff, v14  }
0xae: {  	v29 =	vld.idx.msk [tilespmem:v12+s17+$0x0], $0xffff;
	_, v14, vm2 =	vpop (xrf1)  }
0xaf: {  	v30 =	vld.idx.msk [tilespmem:v12+s16+$0x0], $0xffff;
	vm3 =	vne.s32 v14, $0x1;
	vm2 =	vmneg vm2  }
0xb0: {  	vm2 =	vmor vm3, vm2;
	v16 =	vld.idx.msk [tilespmem:v13+s26+$0x0], $0xffff;
	(xrf1) =	vunique.msk.u32 $0xffff, v11  }
0xb1: {  	v17 =	vld.idx.msk [tilespmem:v13+s25+$0x0], $0xffff;
	v11 =	vsel vm2, $0x1, v1;
	v31 =	vmpcnt.ones.xlane vm2  }
0xb2: {  	v14 =	vld.idx.msk [tilespmem:v13+s24+$0x0], $0xffff;
	(xrf0) =	vadd.scan.msk.s32 $0xffff, v11  }
0xb3: {  	v13 =	vld.idx.msk [tilespmem:v13+s23+$0x0], $0xffff  }
0xb4: {  	v18 =	vld.idx.msk [tilespmem:v15+s4+$0x0], $0xffff  }
0xb5: {  	v32 =	vld.idx.msk [tilespmem:v15+s15+$0x0], $0xffff  }
0xb6: {  	v33 =	vld.idx.msk [tilespmem:v15+s16+$0x0], $0xffff  }
0xb7: {  	v15 =	vld.idx.msk [tilespmem:v15+s17+$0x0], $0xffff  }
0xb8: {  	s7 =	smin.u32 s7, $0x7C;
	v34 =	vld.idx.msk [tilespmem:v12+s15+$0x0], $0xffff;
	v11, _, _ =	vpop (xrf0)  }
0xb9: {  	s7 =	sshll.u32 s7, $0x6;
	v35 =	vld.idx.msk [tilespmem:v12+s4+$0x0], $0xffff;
	v38 =	vadd.s32 v11, v6  }
0xba: {  	v36 =	vmax.f32 v18, v13;
	v11 =	vld [tilespmem:s7+$0x15BB0];
	v37 =	vadd.s32 $0xFFFFFFFF, v38  }
0xbb: {  	v32 =	vmax.f32 v32, v14;
	v18 =	vld [tilespmem:s7+$0x15BA0];
	_, v12, vm3 =	vpop (xrf1)  }
0xbc: {  	v33 =	vmax.f32 v33, v17;
	v14 =	vld [tilespmem:s7+$0x15B90];
	vm4 =	vne.s32 v12, $0x1;
	vm3 =	vmneg vm3  }
0xbd: {  	v38 =	vmax.f32 v15, v16;
	v13 =	vld [tilespmem:s7+$0x15B80];
	vm3 =	vmor vm4, vm3  }
0xbe: {  	vm1 =	vmor vm0, vm1;
	v16 =	vld [tilespmem:s7+$0x13C30];
	v15 =	vsel vm3, $0x1, v1;
	v39 =	vmpcnt.ones.xlane vm3;
	_, v17, vm0 =	vpop (xrf1)  }
0xbf: {  	v40 =	vsel vm1, $0x1, v1;
	v12 =	vld [tilespmem:s7+$0x13C10];
	vm4 =	vne.s32 v17, $0x1;
	vm0 =	vmneg vm0;
	(xrf0) =	vadd.scan.msk.s32 $0xffff, v15  }
0xc0: {  	v17 =	vld [tilespmem:s7+$0x13C20];
	vm0 =	vmor vm4, vm0;
	(xrf0) =	vadd.scan.msk.s32 $0xffff, v40  }
0xc1: {  	v15 =	vld [tilespmem:s7+$0x13C00];
	v40 =	vsel vm0, $0x1, v1  }
0xc2: {  	[tilespmem:v27+s23+$0x0] =	vst.idx.msk $0xffff, v36;
	(xrf0) =	vadd.scan.msk.s32 $0xffff, v40  }
0xc3: {  	[tilespmem:v27+s24+$0x0] =	vst.idx.msk $0xffff, v32  }
0xc4: {  	[tilespmem:v27+s25+$0x0] =	vst.idx.msk $0xffff, v33  }
0xc5: {  	v6 =	vadd.s32 v6, v31;
	[tilespmem:v27+s26+$0x0] =	vst.idx.msk $0xffff, v38;
	v31, _, _ =	vpop (xrf0)  }
0xc6: {  	[tilespmem:v37+s28+$0x0] =	vst.idx.msk vm2, v28;
	v38 =	vadd.s32 v6, v31;
	v6 =	vadd.s32 v6, v39;
	v31 =	vmpcnt.ones.xlane vm1;
	v32, _, _ =	vpop (xrf0)  }
0xc7: {  	v33 =	vmpcnt.ones.xlane vm0;
	[tilespmem:v37+s29+$0x0] =	vst.idx.msk vm2, v27;
	v27 =	vadd.s32 $0xFFFFFFFF, v38;
	v32 =	vadd.s32 v6, v32  }
0xc8: {  	v36 =	vld.idx.msk [tilespmem:v21+s23+$0x0], $0xffff;
	v6 =	vadd.s32 v6, v31;
	v28, _, _ =	vpop (xrf0)  }
0xc9: {  	v31 =	vld.idx.msk [tilespmem:v21+s24+$0x0], $0xffff;
	v28 =	vadd.s32 v6, v28;
	v6 =	vadd.s32 v6, v33  }
0xca: {  	v33 =	vld.idx.msk [tilespmem:v21+s25+$0x0], $0xffff  }
0xcb: {  	v37 =	vld.idx.msk [tilespmem:v21+s26+$0x0], $0xffff;
	_ =	sdelay $0x2  }
0xcc: {  	v35 =	vmax.f32 v35, v36  }
0xcd: {  	v31 =	vmax.f32 v34, v31;
	[tilespmem:v21+s23+$0x0] =	vst.idx.msk $0xffff, v35  }
0xce: {  	v30 =	vmax.f32 v30, v33;
	[tilespmem:v21+s24+$0x0] =	vst.idx.msk $0xffff, v31  }
0xcf: {  	v29 =	vmax.f32 v29, v37;
	[tilespmem:v21+s25+$0x0] =	vst.idx.msk $0xffff, v30  }
0xd0: {  	[tilespmem:v21+s26+$0x0] =	vst.idx.msk $0xffff, v29  }
0xd1: {  	[tilespmem:v27+s28+$0x0] =	vst.idx.msk vm3, v22  }
0xd2: {  	[tilespmem:v27+s29+$0x0] =	vst.idx.msk vm3, v21;
	v21 =	vadd.s32 $0xFFFFFFFF, v32  }
0xd3: {  	v22 =	vld.idx.msk [tilespmem:v19+s23+$0x0], $0xffff  }
0xd4: {  	v27 =	vld.idx.msk [tilespmem:v19+s24+$0x0], $0xffff  }
0xd5: {  	v29 =	vld.idx.msk [tilespmem:v19+s25+$0x0], $0xffff  }
0xd6: {  	v30 =	vld.idx.msk [tilespmem:v19+s26+$0x0], $0xffff;
	_ =	sdelay $0x2  }
0xd7: {  	v22 =	vmax.f32 v26, v22  }
0xd8: {  	[tilespmem:v19+s23+$0x0] =	vst.idx.msk $0xffff, v22;
	v22 =	vmax.f32 v25, v27  }
0xd9: {  	[tilespmem:v19+s24+$0x0] =	vst.idx.msk $0xffff, v22;
	v22 =	vmax.f32 v24, v29  }
0xda: {  	[tilespmem:v19+s25+$0x0] =	vst.idx.msk $0xffff, v22;
	v22 =	vmax.f32 v23, v30  }
0xdb: {  	[tilespmem:v19+s26+$0x0] =	vst.idx.msk $0xffff, v22  }
0xdc: {  	[tilespmem:v21+s28+$0x0] =	vst.idx.msk vm1, v20  }
.Ltmp5:
0xdd: {  	[tilespmem:v21+s29+$0x0] =	vst.idx.msk vm1, v19;
	(pc) =	sbr.rel @p0 .LBB2_5-.Ltmp5, $4  }
0xde: {  	v20 =	vld.idx.msk [tilespmem:v5+s23+$0x0], $0xffff  }
0xdf: {  	v25 =	vld.idx.msk [tilespmem:v5+s24+$0x0], $0xffff  }
0xe0: {  	v24 =	vld.idx.msk [tilespmem:v5+s25+$0x0], $0xffff  }
0xe1: {  	v23 =	vld.idx.msk [tilespmem:v5+s26+$0x0], $0xffff  }
0xe2: {  	v11 =	vxor.u32 $0x80000000, v6  }
0xe3: {  	(xrf0) =	vmax.scan.msk.u32 $0xffff, v11;
	_ =	sdelay $0x5  }
0xe4: {  	v11, _, _ =	vpop (xrf0)  }
0xe5: {  	(v2sf) =	vpush v11, $0xF;
	_ =	sdelay $0xe  }
0xe6: {  	s6 =	spop (v2sf)  }
0xe7: {  	s6 =	sadd.s32 $0x8000000F, s6  }
0xe8: {  	s7 =	sand.u32 $0xF, s6  }
0xe9: {  	s8 =	sshra.s32 s6, $0x1F;
	p1 =	slt.s32 s6, $0x1;
	p0 =	sne.s32 s7, $0x0  }
0xea: {  	s7 =	sshrl.u32 s8, $0x1C;
	p0 =	por !p1, !p0  }
0xeb: {  	s6 =	sadd.s32 s7, s6;
	s7 =	simm.s32 $0x1;
	p0 =	por !p0, !p0  }
0xec: {  	s6 =	sshra.s32 s6, $0x4;
	s7 =	simm.s32 @!p0 $0x0  }
0xed: {  	v63 =	vadd.s32 $0xFFFFFFFF, v28;
	v10 =	vmax.f32 v10, v20;
	s6 =	ssub.s32 s6, s7  }
0xee: {  	[tilespmem:v5+s23+$0x0] =	vst.idx.msk $0xffff, v10;
	v9 =	vmax.f32 v9, v25;
	p0 =	slt.s32 s6, $0x1  }
.Ltmp6:
0xef: {  	[tilespmem:v5+s24+$0x0] =	vst.idx.msk $0xffff, v9;
	v8 =	vmax.f32 v8, v24;
	(pc) =	sbr.rel @!p0 .LBB2_7-.Ltmp6, $4  }
0xf0: {  	[tilespmem:v5+s25+$0x0] =	vst.idx.msk $0xffff, v8;
	v7 =	vmax.f32 v7, v23  }
0xf1: {  	[tilespmem:v5+s26+$0x0] =	vst.idx.msk $0xffff, v7  }
0xf2: {  	[tilespmem:v63+s28+$0x0] =	vst.idx.msk vm0, v4  }
0xf3: {  	[tilespmem:v63+s29+$0x0] =	vst.idx.msk vm0, v5;
	s7 =	simm.s32 $0x0  }
.LBB2_16:
0xf4: {  	s6 =	sshll.u32 s5, $0x1  }
0xf5: {  	s6 =	smin.u32 s6, $0x25  }
0xf6: {  	s6 =	smul.u32 $0x1F40, s6;
	_ =	sdelay $0x1  }
0xf7: {  	s6 =	sshrl.u32 s6, $0x3  }
0xf8: {  	s6 =	sadd.s32 $0x7D0, s6  }
0xf9: {  	s7 =	sadd.s32 s1, s6  }
0xfa: {  	[tilespmem:s18], [sflag:$0x1] =	stream.linear.gather [hbm4b:s7+s4], $0x1F40, $0x38;
	[tilespmem:$0x1F900] =	vst v63  }
0xfb: {  	s6 =	sadd.s32 s3, s6  }
0xfc: {  	[tilespmem:s19], [sflag:$0x2] =	stream.linear.gather [hbm4b:s6+s4], $0x1F40, $0x38;
	[tilespmem:$0x1F900] =	vst v63  }
0xfd: {  	_ =	swait.ge [sflag:s31], $0x1F40  }
0xfe: {  	[sflag:s31] =	ssyncset.done $0x0  }
0xff: {  	[sflag:s31] =	ssyncadd.s32 $0xFFFFE0C0  }
0x100: {  	_ =	swait.ge [sflag:s2], $0x1F40  }
0x101: {  	[sflag:s2] =	ssyncset.done $0x0  }
0x102: {  	[sflag:s2] =	ssyncadd.s32 $0xFFFFE0C0  }
0x103: {  	v4 =	vld [tilespmem:$0x17B30]  }
0x104: {  	v6 =	vld [tilespmem:$0x17B00]  }
0x105: {  	v20 =	vld [tilespmem:$0x19AA0]  }
0x106: {  	v21 =	vld [tilespmem:$0x19A80]  }
0x107: {  	v19 =	vld [tilespmem:$0x17B20]  }
0x108: {  	s8 =	simm.s32 $0x1;
	v22 =	vld [tilespmem:$0x17B10]  }
0x109: {  	s6 =	smin.u32 s8, $0x7C;
	v23 =	vld [tilespmem:$0x19A90]  }
0x10a: {  	s6 =	sshll.u32 s6, $0x6;
	v5 =	vld [tilespmem:$0x19AB0];
	(xrf1) =	vunique.msk.u32 $0xffff, v20  }
0x10b: {  	v18 =	vld [tilespmem:s6+$0x19AA0];
	(xrf1) =	vunique.msk.u32 $0xffff, v21  }
0x10c: {  	v14 =	vld [tilespmem:s6+$0x19A90]  }
0x10d: {  	v13 =	vld [tilespmem:s6+$0x19A80]  }
0x10e: {  	v16 =	vld [tilespmem:s6+$0x17B30]  }
0x10f: {  	v12 =	vld [tilespmem:s6+$0x17B10]  }
0x110: {  	v7 =	vld.idx.msk [tilespmem:v4+s17+$0x0], $0xffff  }
0x111: {  	v8 =	vld.idx.msk [tilespmem:v4+s16+$0x0], $0xffff  }
0x112: {  	v9 =	vld.idx.msk [tilespmem:v4+s15+$0x0], $0xffff  }
0x113: {  	v10 =	vld.idx.msk [tilespmem:v4+s4+$0x0], $0xffff  }
0x114: {  	v24 =	vld.idx.msk [tilespmem:v19+s17+$0x0], $0xffff  }
0x115: {  	v25 =	vld.idx.msk [tilespmem:v19+s16+$0x0], $0xffff  }
0x116: {  	v26 =	vld.idx.msk [tilespmem:v19+s15+$0x0], $0xffff  }
0x117: {  	(xrf1) =	vunique.msk.u32 $0xffff, v23;
	v27 =	vld.idx.msk [tilespmem:v19+s4+$0x0], $0xffff  }
0x118: {  	v28 =	vld.idx.msk [tilespmem:v22+s17+$0x0], $0xffff;
	_, v33, vm0 =	vpop (xrf1)  }
0x119: {  	v29 =	vld.idx.msk [tilespmem:v22+s16+$0x0], $0xffff;
	_, v11, vm1 =	vpop (xrf1)  }
0x11a: {  	v30 =	vld.idx.msk [tilespmem:v21+s26+$0x0], $0xffff;
	vm2 =	vne.s32 v11, $0x1;
	vm1 =	vmneg vm1  }
0x11b: {  	v31 =	vld.idx.msk [tilespmem:v21+s25+$0x0], $0xffff;
	vm1 =	vmor vm2, vm1  }
0x11c: {  	v32 =	vld.idx.msk [tilespmem:v21+s24+$0x0], $0xffff;
	v11 =	vsel vm1, $0x1, v1  }
0x11d: {  	v15 =	vld.idx.msk [tilespmem:v21+s23+$0x0], $0xffff;
	(xrf0) =	vadd.scan.msk.s32 $0xffff, v11  }
0x11e: {  	v34 =	vld.idx.msk [tilespmem:v6+s4+$0x0], $0xffff  }
0x11f: {  	v35 =	vld.idx.msk [tilespmem:v6+s15+$0x0], $0xffff  }
0x120: {  	v36 =	vld.idx.msk [tilespmem:v6+s16+$0x0], $0xffff  }
0x121: {  	v37 =	vld.idx.msk [tilespmem:v6+s17+$0x0], $0xffff  }
0x122: {  	v38 =	vld.idx.msk [tilespmem:v22+s15+$0x0], $0xffff  }
0x123: {  	v40 =	vimm.s32 $0x0;
	v39 =	vld.idx.msk [tilespmem:v22+s4+$0x0], $0xffff;
	v17, _, _ =	vpop (xrf0)  }
0x124: {  	v34 =	vmax.f32 v34, v15;
	v15 =	vld [tilespmem:s6+$0x17B00];
	v41 =	vadd.s32 v17, v40  }
0x125: {  	_, v42, vm2 =	vpop (xrf1);
	v11 =	vld [tilespmem:s6+$0x19AB0];
	v41 =	vadd.s32 $0xFFFFFFFF, v41  }
0x126: {  	v32 =	vmax.f32 v35, v32;
	vm3 =	vne.s32 v42, $0x1;
	vm2 =	vmneg vm2;
	v17 =	vld [tilespmem:s6+$0x17B20];
	[tilespmem:v21+s23+$0x0] =	vst.idx.msk $0xffff, v34  }
0x127: {  	v31 =	vmax.f32 v36, v31;
	vm2 =	vmor vm3, vm2;
	[tilespmem:v21+s24+$0x0] =	vst.idx.msk $0xffff, v32  }
0x128: {  	v30 =	vmax.f32 v37, v30;
	v63 =	vsel vm2, $0x1, v1;
	[tilespmem:v21+s25+$0x0] =	vst.idx.msk $0xffff, v31  }
0x129: {  	(xrf0) =	vadd.scan.msk.s32 $0xffff, v63;
	[tilespmem:v21+s26+$0x0] =	vst.idx.msk $0xffff, v30  }
0x12a: {  	[tilespmem:v41+s28+$0x0] =	vst.idx.msk vm1, v6  }
0x12b: {  	[tilespmem:v41+s29+$0x0] =	vst.idx.msk vm1, v21  }
0x12c: {  	(xrf1) =	vunique.msk.u32 $0xffff, v5;
	v6 =	vld.idx.msk [tilespmem:v23+s23+$0x0], $0xffff  }
0x12d: {  	v21 =	vmpcnt.ones.xlane vm1;
	v30 =	vld.idx.msk [tilespmem:v23+s24+$0x0], $0xffff  }
0x12e: {  	v31 =	vld.idx.msk [tilespmem:v23+s25+$0x0], $0xffff  }
0x12f: {  	v32, _, _ =	vpop (xrf0);
	v34 =	vld.idx.msk [tilespmem:v23+s26+$0x0], $0xffff;
	v21 =	vadd.s32 v40, v21  }
0x130: {  	v32 =	vadd.s32 v21, v32  }
0x131: {  	v32 =	vadd.s32 $0xFFFFFFFF, v32;
	v6 =	vmax.f32 v39, v6  }
0x132: {  	vm0 =	vmneg vm0;
	vm1 =	vne.s32 v33, $0x1;
	[tilespmem:v23+s23+$0x0] =	vst.idx.msk $0xffff, v6;
	v6 =	vmax.f32 v38, v30  }
0x133: {  	vm1 =	vmor vm1, vm0;
	[tilespmem:v23+s24+$0x0] =	vst.idx.msk $0xffff, v6;
	v6 =	vmax.f32 v29, v31  }
0x134: {  	v29 =	vsel vm1, $0x1, v1;
	[tilespmem:v23+s25+$0x0] =	vst.idx.msk $0xffff, v6;
	v6 =	vmax.f32 v28, v34  }
0x135: {  	(xrf0) =	vadd.scan.msk.s32 $0xffff, v29;
	[tilespmem:v23+s26+$0x0] =	vst.idx.msk $0xffff, v6  }
0x136: {  	[tilespmem:v32+s28+$0x0] =	vst.idx.msk vm2, v22  }
0x137: {  	v22 =	vmpcnt.ones.xlane vm2;
	[tilespmem:v32+s29+$0x0] =	vst.idx.msk vm2, v23  }
0x138: {  	v6 =	vld.idx.msk [tilespmem:v20+s23+$0x0], $0xffff  }
0x139: {  	v23 =	vld.idx.msk [tilespmem:v20+s24+$0x0], $0xffff  }
0x13a: {  	_, v28, vm0 =	vpop (xrf1);
	v29 =	vld.idx.msk [tilespmem:v20+s25+$0x0], $0xffff  }
0x13b: {  	v21 =	vadd.s32 v21, v22;
	v30 =	vld.idx.msk [tilespmem:v20+s26+$0x0], $0xffff;
	v22, _, _ =	vpop (xrf0)  }
0x13c: {  	vm0 =	vmneg vm0;
	v22 =	vadd.s32 v21, v22  }
0x13d: {  	vm2 =	vne.s32 v28, $0x1;
	v22 =	vadd.s32 $0xFFFFFFFF, v22;
	v6 =	vmax.f32 v27, v6  }
0x13e: {  	vm0 =	vmor vm2, vm0;
	[tilespmem:v20+s23+$0x0] =	vst.idx.msk $0xffff, v6;
	v6 =	vmax.f32 v26, v23  }
0x13f: {  	v23 =	vsel vm0, $0x1, v1;
	[tilespmem:v20+s24+$0x0] =	vst.idx.msk $0xffff, v6;
	v6 =	vmax.f32 v25, v29  }
0x140: {  	(xrf0) =	vadd.scan.msk.s32 $0xffff, v23;
	[tilespmem:v20+s25+$0x0] =	vst.idx.msk $0xffff, v6;
	v6 =	vmax.f32 v24, v30  }
0x141: {  	[tilespmem:v20+s26+$0x0] =	vst.idx.msk $0xffff, v6  }
0x142: {  	[tilespmem:v22+s28+$0x0] =	vst.idx.msk vm1, v19  }
0x143: {  	[tilespmem:v22+s29+$0x0] =	vst.idx.msk vm1, v20  }
0x144: {  	v6 =	vmpcnt.ones.xlane vm1;
	v20 =	vld.idx.msk [tilespmem:v5+s23+$0x0], $0xffff  }
0x145: {  	v19 =	vmpcnt.ones.xlane vm0;
	v25 =	vld.idx.msk [tilespmem:v5+s24+$0x0], $0xffff  }
0x146: {  	v6 =	vadd.s32 v21, v6;
	v24 =	vld.idx.msk [tilespmem:v5+s25+$0x0], $0xffff;
	v21, _, _ =	vpop (xrf0)  }
0x147: {  	s6 =	simm.s32 $0x2;
	v23 =	vld.idx.msk [tilespmem:v5+s26+$0x0], $0xffff;
	v28 =	vadd.s32 v6, v21;
	v6 =	vadd.s32 v6, v19  }
.LBB2_17:
0x148: {  	p0 =	sne.s32 s6, $0x7D;
	(xrf1) =	vunique.msk.u32 $0xffff, v18;
	v19 =	vmovc v18;
	v21 =	vmov v14;
	v27 =	vmov v13;
	v22 =	vmov v12;
	s7 =	smov.u32 s6;
	s6 =	sadd.s32 $0x1, s6  }
0x149: {  	v18 =	vadd.s32 $0xFFFFFFFF, v28;
	v28 =	vmovc v15;
	v10 =	vmax.f32 v10, v20;
	v20 =	vmov v17  }
0x14a: {  	(xrf1) =	vunique.msk.u32 $0xffff, v13;
	[tilespmem:v5+s23+$0x0] =	vst.idx.msk $0xffff, v10;
	v9 =	vmax.f32 v9, v25  }
0x14b: {  	[tilespmem:v5+s24+$0x0] =	vst.idx.msk $0xffff, v9;
	v8 =	vmax.f32 v8, v24  }
0x14c: {  	[tilespmem:v5+s25+$0x0] =	vst.idx.msk $0xffff, v8;
	v7 =	vmax.f32 v7, v23  }
0x14d: {  	[tilespmem:v5+s26+$0x0] =	vst.idx.msk $0xffff, v7  }
0x14e: {  	[tilespmem:v18+s28+$0x0] =	vst.idx.msk vm0, v4;
	v4 =	vmov v16  }
0x14f: {  	[tilespmem:v18+s29+$0x0] =	vst.idx.msk vm0, v5;
	v5 =	vmov v11  }
0x150: {  	v7 =	vld.idx.msk [tilespmem:v16+s17+$0x0], $0xffff  }
0x151: {  	v8 =	vld.idx.msk [tilespmem:v16+s16+$0x0], $0xffff  }
0x152: {  	v9 =	vld.idx.msk [tilespmem:v16+s15+$0x0], $0xffff  }
0x153: {  	v10 =	vld.idx.msk [tilespmem:v16+s4+$0x0], $0xffff  }
0x154: {  	v23 =	vld.idx.msk [tilespmem:v17+s17+$0x0], $0xffff  }
0x155: {  	v24 =	vld.idx.msk [tilespmem:v17+s16+$0x0], $0xffff  }
0x156: {  	v25 =	vld.idx.msk [tilespmem:v17+s15+$0x0], $0xffff;
	_, v16, vm1 =	vpop (xrf1)  }
0x157: {  	v26 =	vld.idx.msk [tilespmem:v17+s4+$0x0], $0xffff;
	vm0 =	vne.s32 v16, $0x1;
	vm1 =	vmneg vm1;
	(xrf1) =	vunique.msk.u32 $0xffff, v14  }
0x158: {  	v29 =	vld.idx.msk [tilespmem:v12+s17+$0x0], $0xffff;
	_, v14, vm2 =	vpop (xrf1)  }
0x159: {  	v30 =	vld.idx.msk [tilespmem:v12+s16+$0x0], $0xffff;
	vm3 =	vne.s32 v14, $0x1;
	vm2 =	vmneg vm2  }
0x15a: {  	vm2 =	vmor vm3, vm2;
	v16 =	vld.idx.msk [tilespmem:v13+s26+$0x0], $0xffff;
	(xrf1) =	vunique.msk.u32 $0xffff, v11  }
0x15b: {  	v17 =	vld.idx.msk [tilespmem:v13+s25+$0x0], $0xffff;
	v11 =	vsel vm2, $0x1, v1;
	v31 =	vmpcnt.ones.xlane vm2  }
0x15c: {  	v14 =	vld.idx.msk [tilespmem:v13+s24+$0x0], $0xffff;
	(xrf0) =	vadd.scan.msk.s32 $0xffff, v11  }
0x15d: {  	v13 =	vld.idx.msk [tilespmem:v13+s23+$0x0], $0xffff  }
0x15e: {  	v18 =	vld.idx.msk [tilespmem:v15+s4+$0x0], $0xffff  }
0x15f: {  	v32 =	vld.idx.msk [tilespmem:v15+s15+$0x0], $0xffff  }
0x160: {  	v33 =	vld.idx.msk [tilespmem:v15+s16+$0x0], $0xffff  }
0x161: {  	v15 =	vld.idx.msk [tilespmem:v15+s17+$0x0], $0xffff  }
0x162: {  	s7 =	smin.u32 s7, $0x7C;
	v34 =	vld.idx.msk [tilespmem:v12+s15+$0x0], $0xffff;
	v11, _, _ =	vpop (xrf0)  }
0x163: {  	s7 =	sshll.u32 s7, $0x6;
	v35 =	vld.idx.msk [tilespmem:v12+s4+$0x0], $0xffff;
	v38 =	vadd.s32 v11, v6  }
0x164: {  	v36 =	vmax.f32 v18, v13;
	v11 =	vld [tilespmem:s7+$0x19AB0];
	v37 =	vadd.s32 $0xFFFFFFFF, v38  }
0x165: {  	v32 =	vmax.f32 v32, v14;
	v18 =	vld [tilespmem:s7+$0x19AA0];
	_, v12, vm3 =	vpop (xrf1)  }
0x166: {  	v33 =	vmax.f32 v33, v17;
	v14 =	vld [tilespmem:s7+$0x19A90];
	vm4 =	vne.s32 v12, $0x1;
	vm3 =	vmneg vm3  }
0x167: {  	v38 =	vmax.f32 v15, v16;
	v13 =	vld [tilespmem:s7+$0x19A80];
	vm3 =	vmor vm4, vm3  }
0x168: {  	vm1 =	vmor vm0, vm1;
	v16 =	vld [tilespmem:s7+$0x17B30];
	v15 =	vsel vm3, $0x1, v1;
	v39 =	vmpcnt.ones.xlane vm3;
	_, v17, vm0 =	vpop (xrf1)  }
0x169: {  	v40 =	vsel vm1, $0x1, v1;
	v12 =	vld [tilespmem:s7+$0x17B10];
	vm4 =	vne.s32 v17, $0x1;
	vm0 =	vmneg vm0;
	(xrf0) =	vadd.scan.msk.s32 $0xffff, v15  }
0x16a: {  	v17 =	vld [tilespmem:s7+$0x17B20];
	vm0 =	vmor vm4, vm0;
	(xrf0) =	vadd.scan.msk.s32 $0xffff, v40  }
0x16b: {  	v15 =	vld [tilespmem:s7+$0x17B00];
	v40 =	vsel vm0, $0x1, v1  }
0x16c: {  	[tilespmem:v27+s23+$0x0] =	vst.idx.msk $0xffff, v36;
	(xrf0) =	vadd.scan.msk.s32 $0xffff, v40  }
0x16d: {  	[tilespmem:v27+s24+$0x0] =	vst.idx.msk $0xffff, v32  }
0x16e: {  	[tilespmem:v27+s25+$0x0] =	vst.idx.msk $0xffff, v33  }
0x16f: {  	v6 =	vadd.s32 v6, v31;
	[tilespmem:v27+s26+$0x0] =	vst.idx.msk $0xffff, v38;
	v31, _, _ =	vpop (xrf0)  }
0x170: {  	[tilespmem:v37+s28+$0x0] =	vst.idx.msk vm2, v28;
	v38 =	vadd.s32 v6, v31;
	v6 =	vadd.s32 v6, v39;
	v31 =	vmpcnt.ones.xlane vm1;
	v32, _, _ =	vpop (xrf0)  }
0x171: {  	v33 =	vmpcnt.ones.xlane vm0;
	[tilespmem:v37+s29+$0x0] =	vst.idx.msk vm2, v27;
	v27 =	vadd.s32 $0xFFFFFFFF, v38;
	v32 =	vadd.s32 v6, v32  }
0x172: {  	v36 =	vld.idx.msk [tilespmem:v21+s23+$0x0], $0xffff;
	v6 =	vadd.s32 v6, v31;
	v28, _, _ =	vpop (xrf0)  }
0x173: {  	v31 =	vld.idx.msk [tilespmem:v21+s24+$0x0], $0xffff;
	v28 =	vadd.s32 v6, v28;
	v6 =	vadd.s32 v6, v33  }
0x174: {  	v33 =	vld.idx.msk [tilespmem:v21+s25+$0x0], $0xffff  }
0x175: {  	v37 =	vld.idx.msk [tilespmem:v21+s26+$0x0], $0xffff;
	_ =	sdelay $0x2  }
0x176: {  	v35 =	vmax.f32 v35, v36  }
0x177: {  	v31 =	vmax.f32 v34, v31;
	[tilespmem:v21+s23+$0x0] =	vst.idx.msk $0xffff, v35  }
0x178: {  	v30 =	vmax.f32 v30, v33;
	[tilespmem:v21+s24+$0x0] =	vst.idx.msk $0xffff, v31  }
0x179: {  	v29 =	vmax.f32 v29, v37;
	[tilespmem:v21+s25+$0x0] =	vst.idx.msk $0xffff, v30  }
0x17a: {  	[tilespmem:v21+s26+$0x0] =	vst.idx.msk $0xffff, v29  }
0x17b: {  	[tilespmem:v27+s28+$0x0] =	vst.idx.msk vm3, v22  }
0x17c: {  	[tilespmem:v27+s29+$0x0] =	vst.idx.msk vm3, v21;
	v21 =	vadd.s32 $0xFFFFFFFF, v32  }
0x17d: {  	v22 =	vld.idx.msk [tilespmem:v19+s23+$0x0], $0xffff  }
0x17e: {  	v27 =	vld.idx.msk [tilespmem:v19+s24+$0x0], $0xffff  }
0x17f: {  	v29 =	vld.idx.msk [tilespmem:v19+s25+$0x0], $0xffff  }
0x180: {  	v30 =	vld.idx.msk [tilespmem:v19+s26+$0x0], $0xffff;
	_ =	sdelay $0x2  }
0x181: {  	v22 =	vmax.f32 v26, v22  }
0x182: {  	[tilespmem:v19+s23+$0x0] =	vst.idx.msk $0xffff, v22;
	v22 =	vmax.f32 v25, v27  }
0x183: {  	[tilespmem:v19+s24+$0x0] =	vst.idx.msk $0xffff, v22;
	v22 =	vmax.f32 v24, v29  }
0x184: {  	[tilespmem:v19+s25+$0x0] =	vst.idx.msk $0xffff, v22;
	v22 =	vmax.f32 v23, v30  }
0x185: {  	[tilespmem:v19+s26+$0x0] =	vst.idx.msk $0xffff, v22  }
0x186: {  	[tilespmem:v21+s28+$0x0] =	vst.idx.msk vm1, v20  }
.Ltmp7:
0x187: {  	[tilespmem:v21+s29+$0x0] =	vst.idx.msk vm1, v19;
	(pc) =	sbr.rel @p0 .LBB2_17-.Ltmp7, $4  }
0x188: {  	v20 =	vld.idx.msk [tilespmem:v5+s23+$0x0], $0xffff  }
0x189: {  	v25 =	vld.idx.msk [tilespmem:v5+s24+$0x0], $0xffff  }
0x18a: {  	v24 =	vld.idx.msk [tilespmem:v5+s25+$0x0], $0xffff  }
0x18b: {  	v23 =	vld.idx.msk [tilespmem:v5+s26+$0x0], $0xffff  }
0x18c: {  	v11 =	vxor.u32 $0x80000000, v6  }
0x18d: {  	(xrf0) =	vmax.scan.msk.u32 $0xffff, v11;
	_ =	sdelay $0x5  }
0x18e: {  	v11, _, _ =	vpop (xrf0)  }
0x18f: {  	(v2sf) =	vpush v11, $0xF;
	_ =	sdelay $0xe  }
0x190: {  	s6 =	spop (v2sf)  }
0x191: {  	s6 =	sadd.s32 $0x8000000F, s6  }
0x192: {  	s7 =	sand.u32 $0xF, s6  }
0x193: {  	s8 =	sshra.s32 s6, $0x1F;
	p1 =	slt.s32 s6, $0x1;
	p0 =	sne.s32 s7, $0x0  }
0x194: {  	s7 =	sshrl.u32 s8, $0x1C;
	p0 =	por !p1, !p0  }
0x195: {  	s6 =	sadd.s32 s7, s6;
	s7 =	simm.s32 $0x1;
	p0 =	por !p0, !p0  }
0x196: {  	s6 =	sshra.s32 s6, $0x4;
	s7 =	simm.s32 @!p0 $0x0  }
0x197: {  	v63 =	vadd.s32 $0xFFFFFFFF, v28;
	v10 =	vmax.f32 v10, v20;
	s6 =	ssub.s32 s6, s7  }
0x198: {  	[tilespmem:v5+s23+$0x0] =	vst.idx.msk $0xffff, v10;
	v9 =	vmax.f32 v9, v25;
	p0 =	slt.s32 s6, $0x1  }
.Ltmp8:
0x199: {  	[tilespmem:v5+s24+$0x0] =	vst.idx.msk $0xffff, v9;
	v8 =	vmax.f32 v8, v24;
	(pc) =	sbr.rel @!p0 .LBB2_19-.Ltmp8, $4  }
.Ltmp9:
0x19a: {  	[tilespmem:v5+s25+$0x0] =	vst.idx.msk $0xffff, v8;
	v7 =	vmax.f32 v7, v23;
	(pc) =	sbr.rel @p0 .LBB2_28-.Ltmp9, $4  }
0x19b: {  	[tilespmem:v5+s26+$0x0] =	vst.idx.msk $0xffff, v7  }
0x19c: {  	[tilespmem:v63+s28+$0x0] =	vst.idx.msk vm0, v4  }
0x19d: {  	[tilespmem:v63+s29+$0x0] =	vst.idx.msk vm0, v5;
	s7 =	simm.s32 $0x0  }
0x19e: {  	_ = 	snop  }
.LBB2_15:
0x19f: {  	s7 =	sadd.s32 $0x1, s7  }
0x1a0: {  	p0 =	sne.s32 s7, s6  }
.Ltmp10:
0x1a1: {  	_ = 	snop;
	(pc) =	sbr.rel @!p0 .LBB2_16-.Ltmp10, $1  }
0x1a2: {  	_ =	sdelay $0x3  }
.LBB2_7:
0x1a3: {  	s8 =	sshll.u32 s7, $0x4  }
0x1a4: {  	v4 =	vld [tilespmem:s8+$0x1BA00]  }
0x1a5: {  	v7 =	vld [tilespmem:s8+$0x1D980];
	_ =	sdelay $0x1  }
0x1a6: {  	v5 =	vor.u32 s8, v2  }
0x1a7: {  	vm0 =	vlt.s32 v5, v6  }
0x1a8: {  	v5 =	vnsel vm0, $0x0, v4  }
0x1a9: {  	v4 =	vnsel vm0, $0x0, v7;
	_ =	sdelay $0x3  }
0x1aa: {  	v7 =	vld.idx.msk [tilespmem:v5+s4+$0x0], $0xffff  }
0x1ab: {  	v8 =	vld.idx.msk [tilespmem:v4+s23+$0x0], $0xffff;
	_ =	sdelay $0x4  }
0x1ac: {  	v7 =	vmax.f32 v7, v8  }
0x1ad: {  	v7 =	vnsel vm0, $0xFF61B1E6, v7  }
0x1ae: {  	[tilespmem:v4+s23+$0x0] =	vst.idx.msk vm0, v7  }
0x1af: {  	v8 =	vld.idx.msk [tilespmem:v4+s23+$0x0], $0xffff;
	_ =	sdelay $0x4  }
0x1b0: {  	vm1 =	vlt.f32 v8, v7  }
0x1b1: {  	v8 =	vsel vm1, $0x3F800000, v3  }
0x1b2: {  	(xrf0) =	vmax.scan.msk.f32 $0xffff, v8;
	_ =	sdelay $0x5  }
0x1b3: {  	v8, _, _ =	vpop (xrf0)  }
0x1b4: {  	(v2sf) =	vpush v8, $0xF;
	_ =	sdelay $0xe  }
0x1b5: {  	s8 =	spop (v2sf)  }
0x1b6: {  	p0 =	sgt.f32 s8, $0.0e+00  }
.Ltmp11:
0x1b7: {  	_ = 	snop;
	(pc) =	sbr.rel @!p0 .LBB2_9-.Ltmp11, $1  }
0x1b8: {  	_ =	sdelay $0x3  }
.LBB2_8:
0x1b9: {  	[tilespmem:v4+s23+$0x0] =	vst.idx.msk vm1, v7  }
0x1ba: {  	v8 =	vld.idx.msk [tilespmem:v4+s23+$0x0], $0xffff;
	_ =	sdelay $0x4  }
0x1bb: {  	vm1 =	vlt.f32 v8, v7  }
0x1bc: {  	v8 =	vsel vm1, $0x3F800000, v3  }
0x1bd: {  	(xrf0) =	vmax.scan.msk.f32 $0xffff, v8;
	_ =	sdelay $0x5  }
0x1be: {  	v8, _, _ =	vpop (xrf0)  }
0x1bf: {  	(v2sf) =	vpush v8, $0xF;
	_ =	sdelay $0xe  }
0x1c0: {  	s8 =	spop (v2sf)  }
0x1c1: {  	p0 =	sgt.f32 s8, $0.0e+00  }
.Ltmp12:
0x1c2: {  	_ = 	snop;
	(pc) =	sbr.rel @p0 .LBB2_8-.Ltmp12, $1  }
0x1c3: {  	_ =	sdelay $0x3  }
.LBB2_9:
0x1c4: {  	_ =	sdelay $0x3  }
0x1c5: {  	v7 =	vld.idx.msk [tilespmem:v5+s15+$0x0], $0xffff  }
0x1c6: {  	v8 =	vld.idx.msk [tilespmem:v4+s24+$0x0], $0xffff;
	_ =	sdelay $0x4  }
0x1c7: {  	v7 =	vmax.f32 v7, v8  }
0x1c8: {  	v7 =	vnsel vm0, $0xFF61B1E6, v7  }
0x1c9: {  	[tilespmem:v4+s24+$0x0] =	vst.idx.msk vm0, v7  }
0x1ca: {  	v8 =	vld.idx.msk [tilespmem:v4+s24+$0x0], $0xffff;
	_ =	sdelay $0x4  }
0x1cb: {  	vm1 =	vlt.f32 v8, v7  }
0x1cc: {  	v8 =	vsel vm1, $0x3F800000, v3  }
0x1cd: {  	(xrf0) =	vmax.scan.msk.f32 $0xffff, v8;
	_ =	sdelay $0x5  }
0x1ce: {  	v8, _, _ =	vpop (xrf0)  }
0x1cf: {  	(v2sf) =	vpush v8, $0xF;
	_ =	sdelay $0xe  }
0x1d0: {  	s8 =	spop (v2sf)  }
0x1d1: {  	p0 =	sgt.f32 s8, $0.0e+00  }
.Ltmp13:
0x1d2: {  	_ = 	snop;
	(pc) =	sbr.rel @!p0 .LBB2_11-.Ltmp13, $1  }
0x1d3: {  	_ =	sdelay $0x3  }
.LBB2_10:
0x1d4: {  	[tilespmem:v4+s24+$0x0] =	vst.idx.msk vm1, v7  }
0x1d5: {  	v8 =	vld.idx.msk [tilespmem:v4+s24+$0x0], $0xffff;
	_ =	sdelay $0x4  }
0x1d6: {  	vm1 =	vlt.f32 v8, v7  }
0x1d7: {  	v8 =	vsel vm1, $0x3F800000, v3  }
0x1d8: {  	(xrf0) =	vmax.scan.msk.f32 $0xffff, v8;
	_ =	sdelay $0x5  }
0x1d9: {  	v8, _, _ =	vpop (xrf0)  }
0x1da: {  	(v2sf) =	vpush v8, $0xF;
	_ =	sdelay $0xe  }
0x1db: {  	s8 =	spop (v2sf)  }
0x1dc: {  	p0 =	sgt.f32 s8, $0.0e+00  }
.Ltmp14:
0x1dd: {  	_ = 	snop;
	(pc) =	sbr.rel @p0 .LBB2_10-.Ltmp14, $1  }
0x1de: {  	_ =	sdelay $0x3  }
.LBB2_11:
0x1df: {  	_ =	sdelay $0x3  }
0x1e0: {  	v7 =	vld.idx.msk [tilespmem:v5+s16+$0x0], $0xffff  }
0x1e1: {  	v8 =	vld.idx.msk [tilespmem:v4+s25+$0x0], $0xffff;
	_ =	sdelay $0x4  }
0x1e2: {  	v7 =	vmax.f32 v7, v8  }
0x1e3: {  	v7 =	vnsel vm0, $0xFF61B1E6, v7  }
0x1e4: {  	[tilespmem:v4+s25+$0x0] =	vst.idx.msk vm0, v7  }
0x1e5: {  	v8 =	vld.idx.msk [tilespmem:v4+s25+$0x0], $0xffff;
	_ =	sdelay $0x4  }
0x1e6: {  	vm1 =	vlt.f32 v8, v7  }
0x1e7: {  	v8 =	vsel vm1, $0x3F800000, v3  }
0x1e8: {  	(xrf0) =	vmax.scan.msk.f32 $0xffff, v8;
	_ =	sdelay $0x5  }
0x1e9: {  	v8, _, _ =	vpop (xrf0)  }
0x1ea: {  	(v2sf) =	vpush v8, $0xF;
	_ =	sdelay $0xe  }
0x1eb: {  	s8 =	spop (v2sf)  }
0x1ec: {  	p0 =	sgt.f32 s8, $0.0e+00  }
.Ltmp15:
0x1ed: {  	_ = 	snop;
	(pc) =	sbr.rel @!p0 .LBB2_13-.Ltmp15, $1  }
0x1ee: {  	_ =	sdelay $0x3  }
.LBB2_12:
0x1ef: {  	[tilespmem:v4+s25+$0x0] =	vst.idx.msk vm1, v7  }
0x1f0: {  	v8 =	vld.idx.msk [tilespmem:v4+s25+$0x0], $0xffff;
	_ =	sdelay $0x4  }
0x1f1: {  	vm1 =	vlt.f32 v8, v7  }
0x1f2: {  	v8 =	vsel vm1, $0x3F800000, v3  }
0x1f3: {  	(xrf0) =	vmax.scan.msk.f32 $0xffff, v8;
	_ =	sdelay $0x5  }
0x1f4: {  	v8, _, _ =	vpop (xrf0)  }
0x1f5: {  	(v2sf) =	vpush v8, $0xF;
	_ =	sdelay $0xe  }
0x1f6: {  	s8 =	spop (v2sf)  }
0x1f7: {  	p0 =	sgt.f32 s8, $0.0e+00  }
.Ltmp16:
0x1f8: {  	_ = 	snop;
	(pc) =	sbr.rel @p0 .LBB2_12-.Ltmp16, $1  }
0x1f9: {  	_ =	sdelay $0x3  }
.LBB2_13:
0x1fa: {  	_ =	sdelay $0x3  }
0x1fb: {  	v5 =	vld.idx.msk [tilespmem:v5+s17+$0x0], $0xffff  }
0x1fc: {  	v7 =	vld.idx.msk [tilespmem:v4+s26+$0x0], $0xffff;
	_ =	sdelay $0x4  }
0x1fd: {  	v5 =	vmax.f32 v5, v7  }
0x1fe: {  	v5 =	vnsel vm0, $0xFF61B1E6, v5  }
0x1ff: {  	[tilespmem:v4+s26+$0x0] =	vst.idx.msk vm0, v5  }
0x200: {  	v7 =	vld.idx.msk [tilespmem:v4+s26+$0x0], $0xffff;
	_ =	sdelay $0x4  }
0x201: {  	vm0 =	vlt.f32 v7, v5  }
0x202: {  	v7 =	vsel vm0, $0x3F800000, v3  }
0x203: {  	(xrf0) =	vmax.scan.msk.f32 $0xffff, v7;
	_ =	sdelay $0x5  }
0x204: {  	v7, _, _ =	vpop (xrf0)  }
0x205: {  	(v2sf) =	vpush v7, $0xF;
	_ =	sdelay $0xe  }
0x206: {  	s8 =	spop (v2sf)  }
0x207: {  	p0 =	sgt.f32 s8, $0.0e+00  }
.Ltmp17:
0x208: {  	_ = 	snop;
	(pc) =	sbr.rel @!p0 .LBB2_15-.Ltmp17, $1  }
0x209: {  	_ =	sdelay $0x3  }
.LBB2_14:
0x20a: {  	[tilespmem:v4+s26+$0x0] =	vst.idx.msk vm0, v5  }
0x20b: {  	v7 =	vld.idx.msk [tilespmem:v4+s26+$0x0], $0xffff;
	_ =	sdelay $0x4  }
0x20c: {  	vm0 =	vlt.f32 v7, v5  }
0x20d: {  	v7 =	vsel vm0, $0x3F800000, v3  }
0x20e: {  	(xrf0) =	vmax.scan.msk.f32 $0xffff, v7;
	_ =	sdelay $0x5  }
0x20f: {  	v7, _, _ =	vpop (xrf0)  }
0x210: {  	(v2sf) =	vpush v7, $0xF;
	_ =	sdelay $0xe  }
0x211: {  	s8 =	spop (v2sf)  }
0x212: {  	p0 =	sgt.f32 s8, $0.0e+00  }
.Ltmp18:
0x213: {  	_ = 	snop;
	(pc) =	sbr.rel @p0 .LBB2_14-.Ltmp18, $1  }
0x214: {  	_ =	sdelay $0x3  }
.Ltmp19:
0x215: {  	_ = 	snop;
	(pc) =	sbr.rel .LBB2_15-.Ltmp19, $1  }
0x216: {  	_ =	sdelay $0x3  }
.LBB2_27:
0x217: {  	s7 =	sadd.s32 $0x1, s7  }
0x218: {  	p0 =	sne.s32 s7, s6  }
.Ltmp20:
0x219: {  	_ = 	snop;
	(pc) =	sbr.rel @!p0 .LBB2_28-.Ltmp20, $1  }
0x21a: {  	_ =	sdelay $0x3  }
.LBB2_19:
0x21b: {  	s8 =	sshll.u32 s7, $0x4  }
0x21c: {  	v4 =	vld [tilespmem:s8+$0x1BA00]  }
0x21d: {  	v7 =	vld [tilespmem:s8+$0x1D980];
	_ =	sdelay $0x1  }
0x21e: {  	v5 =	vor.u32 s8, v2  }
0x21f: {  	vm0 =	vlt.s32 v5, v6  }
0x220: {  	v5 =	vnsel vm0, $0x0, v4  }
0x221: {  	v4 =	vnsel vm0, $0x0, v7;
	_ =	sdelay $0x3  }
0x222: {  	v7 =	vld.idx.msk [tilespmem:v5+s4+$0x0], $0xffff  }
0x223: {  	v8 =	vld.idx.msk [tilespmem:v4+s23+$0x0], $0xffff;
	_ =	sdelay $0x4  }
0x224: {  	v7 =	vmax.f32 v7, v8  }
0x225: {  	v7 =	vnsel vm0, $0xFF61B1E6, v7  }
0x226: {  	[tilespmem:v4+s23+$0x0] =	vst.idx.msk vm0, v7  }
0x227: {  	v8 =	vld.idx.msk [tilespmem:v4+s23+$0x0], $0xffff;
	_ =	sdelay $0x4  }
0x228: {  	vm1 =	vlt.f32 v8, v7  }
0x229: {  	v8 =	vsel vm1, $0x3F800000, v3  }
0x22a: {  	(xrf0) =	vmax.scan.msk.f32 $0xffff, v8;
	_ =	sdelay $0x5  }
0x22b: {  	v8, _, _ =	vpop (xrf0)  }
0x22c: {  	(v2sf) =	vpush v8, $0xF;
	_ =	sdelay $0xe  }
0x22d: {  	s8 =	spop (v2sf)  }
0x22e: {  	p0 =	sgt.f32 s8, $0.0e+00  }
.Ltmp21:
0x22f: {  	_ = 	snop;
	(pc) =	sbr.rel @!p0 .LBB2_21-.Ltmp21, $1  }
0x230: {  	_ =	sdelay $0x3  }
.LBB2_20:
0x231: {  	[tilespmem:v4+s23+$0x0] =	vst.idx.msk vm1, v7  }
0x232: {  	v8 =	vld.idx.msk [tilespmem:v4+s23+$0x0], $0xffff;
	_ =	sdelay $0x4  }
0x233: {  	vm1 =	vlt.f32 v8, v7  }
0x234: {  	v8 =	vsel vm1, $0x3F800000, v3  }
0x235: {  	(xrf0) =	vmax.scan.msk.f32 $0xffff, v8;
	_ =	sdelay $0x5  }
0x236: {  	v8, _, _ =	vpop (xrf0)  }
0x237: {  	(v2sf) =	vpush v8, $0xF;
	_ =	sdelay $0xe  }
0x238: {  	s8 =	spop (v2sf)  }
0x239: {  	p0 =	sgt.f32 s8, $0.0e+00  }
.Ltmp22:
0x23a: {  	_ = 	snop;
	(pc) =	sbr.rel @p0 .LBB2_20-.Ltmp22, $1  }
0x23b: {  	_ =	sdelay $0x3  }
.LBB2_21:
0x23c: {  	_ =	sdelay $0x3  }
0x23d: {  	v7 =	vld.idx.msk [tilespmem:v5+s15+$0x0], $0xffff  }
0x23e: {  	v8 =	vld.idx.msk [tilespmem:v4+s24+$0x0], $0xffff;
	_ =	sdelay $0x4  }
0x23f: {  	v7 =	vmax.f32 v7, v8  }
0x240: {  	v7 =	vnsel vm0, $0xFF61B1E6, v7  }
0x241: {  	[tilespmem:v4+s24+$0x0] =	vst.idx.msk vm0, v7  }
0x242: {  	v8 =	vld.idx.msk [tilespmem:v4+s24+$0x0], $0xffff;
	_ =	sdelay $0x4  }
0x243: {  	vm1 =	vlt.f32 v8, v7  }
0x244: {  	v8 =	vsel vm1, $0x3F800000, v3  }
0x245: {  	(xrf0) =	vmax.scan.msk.f32 $0xffff, v8;
	_ =	sdelay $0x5  }
0x246: {  	v8, _, _ =	vpop (xrf0)  }
0x247: {  	(v2sf) =	vpush v8, $0xF;
	_ =	sdelay $0xe  }
0x248: {  	s8 =	spop (v2sf)  }
0x249: {  	p0 =	sgt.f32 s8, $0.0e+00  }
.Ltmp23:
0x24a: {  	_ = 	snop;
	(pc) =	sbr.rel @!p0 .LBB2_23-.Ltmp23, $1  }
0x24b: {  	_ =	sdelay $0x3  }
.LBB2_22:
0x24c: {  	[tilespmem:v4+s24+$0x0] =	vst.idx.msk vm1, v7  }
0x24d: {  	v8 =	vld.idx.msk [tilespmem:v4+s24+$0x0], $0xffff;
	_ =	sdelay $0x4  }
0x24e: {  	vm1 =	vlt.f32 v8, v7  }
0x24f: {  	v8 =	vsel vm1, $0x3F800000, v3  }
0x250: {  	(xrf0) =	vmax.scan.msk.f32 $0xffff, v8;
	_ =	sdelay $0x5  }
0x251: {  	v8, _, _ =	vpop (xrf0)  }
0x252: {  	(v2sf) =	vpush v8, $0xF;
	_ =	sdelay $0xe  }
0x253: {  	s8 =	spop (v2sf)  }
0x254: {  	p0 =	sgt.f32 s8, $0.0e+00  }
.Ltmp24:
0x255: {  	_ = 	snop;
	(pc) =	sbr.rel @p0 .LBB2_22-.Ltmp24, $1  }
0x256: {  	_ =	sdelay $0x3  }
.LBB2_23:
0x257: {  	_ =	sdelay $0x3  }
0x258: {  	v7 =	vld.idx.msk [tilespmem:v5+s16+$0x0], $0xffff  }
0x259: {  	v8 =	vld.idx.msk [tilespmem:v4+s25+$0x0], $0xffff;
	_ =	sdelay $0x4  }
0x25a: {  	v7 =	vmax.f32 v7, v8  }
0x25b: {  	v7 =	vnsel vm0, $0xFF61B1E6, v7  }
0x25c: {  	[tilespmem:v4+s25+$0x0] =	vst.idx.msk vm0, v7  }
0x25d: {  	v8 =	vld.idx.msk [tilespmem:v4+s25+$0x0], $0xffff;
	_ =	sdelay $0x4  }
0x25e: {  	vm1 =	vlt.f32 v8, v7  }
0x25f: {  	v8 =	vsel vm1, $0x3F800000, v3  }
0x260: {  	(xrf0) =	vmax.scan.msk.f32 $0xffff, v8;
	_ =	sdelay $0x5  }
0x261: {  	v8, _, _ =	vpop (xrf0)  }
0x262: {  	(v2sf) =	vpush v8, $0xF;
	_ =	sdelay $0xe  }
0x263: {  	s8 =	spop (v2sf)  }
0x264: {  	p0 =	sgt.f32 s8, $0.0e+00  }
.Ltmp25:
0x265: {  	_ = 	snop;
	(pc) =	sbr.rel @!p0 .LBB2_25-.Ltmp25, $1  }
0x266: {  	_ =	sdelay $0x3  }
.LBB2_24:
0x267: {  	[tilespmem:v4+s25+$0x0] =	vst.idx.msk vm1, v7  }
0x268: {  	v8 =	vld.idx.msk [tilespmem:v4+s25+$0x0], $0xffff;
	_ =	sdelay $0x4  }
0x269: {  	vm1 =	vlt.f32 v8, v7  }
0x26a: {  	v8 =	vsel vm1, $0x3F800000, v3  }
0x26b: {  	(xrf0) =	vmax.scan.msk.f32 $0xffff, v8;
	_ =	sdelay $0x5  }
0x26c: {  	v8, _, _ =	vpop (xrf0)  }
0x26d: {  	(v2sf) =	vpush v8, $0xF;
	_ =	sdelay $0xe  }
0x26e: {  	s8 =	spop (v2sf)  }
0x26f: {  	p0 =	sgt.f32 s8, $0.0e+00  }
.Ltmp26:
0x270: {  	_ = 	snop;
	(pc) =	sbr.rel @p0 .LBB2_24-.Ltmp26, $1  }
0x271: {  	_ =	sdelay $0x3  }
.LBB2_25:
0x272: {  	_ =	sdelay $0x3  }
0x273: {  	v5 =	vld.idx.msk [tilespmem:v5+s17+$0x0], $0xffff  }
0x274: {  	v7 =	vld.idx.msk [tilespmem:v4+s26+$0x0], $0xffff;
	_ =	sdelay $0x4  }
0x275: {  	v5 =	vmax.f32 v5, v7  }
0x276: {  	v5 =	vnsel vm0, $0xFF61B1E6, v5  }
0x277: {  	[tilespmem:v4+s26+$0x0] =	vst.idx.msk vm0, v5  }
0x278: {  	v7 =	vld.idx.msk [tilespmem:v4+s26+$0x0], $0xffff;
	_ =	sdelay $0x4  }
0x279: {  	vm0 =	vlt.f32 v7, v5  }
0x27a: {  	v7 =	vsel vm0, $0x3F800000, v3  }
0x27b: {  	(xrf0) =	vmax.scan.msk.f32 $0xffff, v7;
	_ =	sdelay $0x5  }
0x27c: {  	v7, _, _ =	vpop (xrf0)  }
0x27d: {  	(v2sf) =	vpush v7, $0xF;
	_ =	sdelay $0xe  }
0x27e: {  	s8 =	spop (v2sf)  }
0x27f: {  	p0 =	sgt.f32 s8, $0.0e+00  }
.Ltmp27:
0x280: {  	_ = 	snop;
	(pc) =	sbr.rel @!p0 .LBB2_27-.Ltmp27, $1  }
0x281: {  	_ =	sdelay $0x3  }
.LBB2_26:
0x282: {  	[tilespmem:v4+s26+$0x0] =	vst.idx.msk vm0, v5  }
0x283: {  	v7 =	vld.idx.msk [tilespmem:v4+s26+$0x0], $0xffff;
	_ =	sdelay $0x4  }
0x284: {  	vm0 =	vlt.f32 v7, v5  }
0x285: {  	v7 =	vsel vm0, $0x3F800000, v3  }
0x286: {  	(xrf0) =	vmax.scan.msk.f32 $0xffff, v7;
	_ =	sdelay $0x5  }
0x287: {  	v7, _, _ =	vpop (xrf0)  }
0x288: {  	(v2sf) =	vpush v7, $0xF;
	_ =	sdelay $0xe  }
0x289: {  	s8 =	spop (v2sf)  }
0x28a: {  	p0 =	sgt.f32 s8, $0.0e+00  }
.Ltmp28:
0x28b: {  	_ = 	snop;
	(pc) =	sbr.rel @p0 .LBB2_26-.Ltmp28, $1  }
0x28c: {  	_ =	sdelay $0x3  }
.Ltmp29:
0x28d: {  	_ = 	snop;
	(pc) =	sbr.rel .LBB2_27-.Ltmp29, $1  }
0x28e: {  	_ =	sdelay $0x3  }
.LBB2_30:
0x28f: {  	_ =	sfence.sel $0x180000  }
0x290: {  	[bflag:$0x0] =	sbarrier.arrive $0xFFFF  }
0x291: {  	_ =	strace $0x90000047  }
0x292: {  	s0 =	stileid.u32;
	[bflag:$0x2] =	sbarrier.arrive $0xFFFF  }
0x293: {  	p0 =	sne.s32 s0, $0x0;
	s0 =	rddreg [dreg:$0x4]  }
0x294: {  	s0 =	sadd.s32 @!p0 $0x100000, s0  }
0x295: {  	[sflag:s0] =	ssyncadd.tile.s32 @!p0 $0x1;
	_ =	shalt  }
.Lfunc_end2:
_tile_overlayer_lowered:
.L_overlay_start_2:
0x296: {  	(tag) =	ssettag $0x2  }
0x297: {  	s0 =	rddreg [dreg:$0x0];
	s2 =	stileid.u32  }
0x298: {  	s1 =	rddreg [dreg:$0x1];
	p0 =	sne.s32 s2, $0x0  }
0x299: {  	s3 =	rddreg [dreg:$0x2];
	[bflag:$0x3] =	sbarrier.arrive $0xFFFF;
	s2 =	simm.s32 @!p0 $0x1C05  }
0x29a: {  	[timem:s3], [sflag:s2] =	dma.local @!p0 [hbm:s0], s1  }
0x29b: {  	s0 =	simm.s32 @!p0 $0x5  }
0x29c: {  	_ =	swait.ge @!p0 [sflag:s0], s1  }
0x29d: {  	s1 =	ssub.s32 @!p0 $0x0, s1;
	[sflag:s0] =	ssyncset.done @!p0 $0x0  }
0x29e: {  	[sflag:s0] =	ssyncadd.s32 @!p0 s1  }
0x29f: {  	[bflag:$0x3] =	sbarrier.arrive $0xFFFF  }
0x2a0: {  	_ =	shalt  }

</sc_bundles>
